<compile_context>
chip_gen: v7x
topology: tpu7x:2x2x1
jax: 0.10.2.dev20260603
libtpu: 0.0.44.dev20260713+nightly
codegen_flags: <defaults>
</compile_context>

<pallas_src>
import functools

import jax
import jax.numpy as jnp
from jax import lax
from jax.experimental import pallas as pl
from jax.experimental.pallas import tpu as pltpu
from jax.experimental.pallas import tpu_sc as plsc

_B = 4096
_N = 8192
_K = 2048
_L = 16

_NC = 2
_NS = 16
_NW = _NC * _NS
_RPW = _B // _NW
_R = 4
_H = 2
_G = _RPW // _R
_CH = _K // _L

_mesh = plsc.VectorSubcoreMesh(core_axis_name="c", subcore_axis_name="s")


@functools.partial(
    pl.kernel,
    mesh=_mesh,
    out_type=(
        jax.ShapeDtypeStruct((_B, _K), jnp.float32),
        jax.ShapeDtypeStruct((_B, _K), jnp.float32),
    ),
    scratch_types=[
        pltpu.VMEM((_R, _N), jnp.float32),
        pltpu.VMEM((_R, _N), jnp.float32),
        pltpu.VMEM((_R, _K), jnp.int32),
        pltpu.VMEM((_R, _K), jnp.int32),
        pltpu.VMEM((_R, _K), jnp.int32),
        pltpu.VMEM((_R, _K), jnp.int32),
        pltpu.VMEM((_R, _K), jnp.float32),
        pltpu.VMEM((_R, _K), jnp.float32),
        pltpu.VMEM((_R, _K), jnp.float32),
        pltpu.VMEM((_R, _K), jnp.float32),
        pltpu.SemaphoreType.DMA,
        pltpu.SemaphoreType.DMA,
        pltpu.SemaphoreType.DMA,
        pltpu.SemaphoreType.DMA,
        pltpu.SemaphoreType.DMA,
        pltpu.SemaphoreType.DMA,
    ],
    compiler_params=pltpu.CompilerParams(needs_layout_passes=False),
)
def _gather_rows(x_hbm, i1_hbm, i2_hbm, o1_hbm, o2_hbm,
                 xv0, xv1, i1v0, i1v1, i2v0, i2v1,
                 o1v0, o1v1, o2v0, o2v1,
                 isem0, isem1, o1sem0, o1sem1, o2sem0, o2sem1):
    wid = lax.axis_index("s") * _NC + lax.axis_index("c")
    base = wid * _RPW
    xv = (xv0, xv1)
    i1v = (i1v0, i1v1)
    i2v = (i2v0, i2v1)
    o1v = (o1v0, o1v1)
    o2v = (o2v0, o2v1)
    isems = (isem0, isem1)
    o1sems = (o1sem0, o1sem1)
    o2sems = (o2sem0, o2sem1)

    def issue_in(g, p):
        sl = pl.ds(base + g * _R, _R)
        pltpu.async_copy(x_hbm.at[sl], xv[p], isems[p])
        pltpu.async_copy(i1_hbm.at[sl], i1v[p], isems[p])
        pltpu.async_copy(i2_hbm.at[sl], i2v[p], isems[p])

    def wait_in(g, p):
        sl = pl.ds(base + g * _R, _R)
        pltpu.make_async_copy(x_hbm.at[sl], xv[p], isems[p]).wait()
        pltpu.make_async_copy(i1_hbm.at[sl], i1v[p], isems[p]).wait()
        pltpu.make_async_copy(i2_hbm.at[sl], i2v[p], isems[p]).wait()

    def issue_out1(g, p):
        sl = pl.ds(base + g * _R, _R)
        pltpu.async_copy(o1v[p], o1_hbm.at[sl], o1sems[p])

    def wait_out1(g, p):
        sl = pl.ds(base + g * _R, _R)
        pltpu.make_async_copy(o1v[p], o1_hbm.at[sl], o1sems[p]).wait()

    def issue_out2(g, p):
        sl = pl.ds(base + g * _R, _R)
        pltpu.async_copy(o2v[p], o2_hbm.at[sl], o2sems[p])

    def wait_out2(g, p):
        sl = pl.ds(base + g * _R, _R)
        pltpu.make_async_copy(o2v[p], o2_hbm.at[sl], o2sems[p]).wait()

    def batch(g, p):
        @pl.when(g + 1 < _G)
        def _():
            issue_in(g + 1, 1 - p)

        wait_in(g, p)

        @pl.when(g >= 2)
        def _():
            wait_out1(g - 2, p)
            wait_out2(g - 2, p)

        for r in range(_R):
            rsplat = jnp.full((_L,), r, dtype=jnp.int32)
            xr, i1r, i2r = xv[p], i1v[p], i2v[p]
            o1r, o2r = o1v[p], o2v[p]

            @plsc.parallel_loop(0, _CH, 1, unroll=4)
            def _(c):
                s = pl.ds(c * _L, _L)
                o1r[r, s] = plsc.load_gather(xr, [rsplat, i1r[r, s]])
                o2r[r, s] = plsc.load_gather(xr, [rsplat, i2r[r, s]])

        issue_out2(g, p)
        issue_out1(g, p)

    issue_in(0, 0)

    def pair(j, carry):
        batch(2 * j, 0)
        batch(2 * j + 1, 1)
        return carry

    lax.fori_loop(0, _G // 2, pair, 0)
    wait_out1(_G - 2, 0)
    wait_out1(_G - 1, 1)
    wait_out2(_G - 2, 0)
    wait_out2(_G - 1, 1)


def kernel(x, ind1, ind2):
    return _gather_rows(x, ind1, ind2)

# --- scband reference (transcript-rebuilt; emitter-appended) ---
"""Pipeline reference for scband-sampler-t2-28183575397016 (READ-ONLY COPY).

The authoritative reference and input builder live on the scoring server;
editing this copy changes nothing except your own understanding.
"""

import jax, jax.numpy as jnp
import numpy as np

B = 4096
N = 8192
K = 2048

def setup_inputs(seed: int = 0) -> dict:
    key = jax.random.key(seed)
    k1, k2, k3 = jax.random.split(key, 3)
    x = jax.random.normal(k1, (B, N), dtype=jnp.float32)
    ind1 = jax.random.randint(k2, (B, K), 0, N, dtype=jnp.int32)
    ind2 = jax.random.randint(k3, (B, K), 0, N, dtype=jnp.int32)
    return {"x": x, "ind1": ind1, "ind2": ind2}

def reference(x, ind1, ind2):
    # torch.take_along_dim(x, ind, 1) == jnp.take_along_axis(x, ind, axis=1)
    out1 = jnp.take_along_axis(x, ind1, axis=1)
    out2 = jnp.take_along_axis(x, ind2, axis=1)
    return (out1, out2)

if __name__ == "__main__":
    import jax
    _d = setup_inputs()
    print(jax.jit(kernel)(*tuple(_d.values())))

</pallas_src>

<mosaic_0001>
#map = affine_map<(d0, d1) -> (0, 0)>
module attributes {stable_mosaic.version = 14 : i64} {
  func.func @_gather_rows(%arg0: i32, %arg1: i32, %arg2: memref<4096x8192xf32, #tpu.memory_space<hbm>>, %arg3: memref<4096x2048xi32, #tpu.memory_space<hbm>>, %arg4: memref<4096x2048xi32, #tpu.memory_space<hbm>>, %arg5: memref<4096x2048xf32, #tpu.memory_space<hbm>>, %arg6: memref<4096x2048xf32, #tpu.memory_space<hbm>>, %arg7: memref<4x8192xf32, #tpu.memory_space<vmem>>, %arg8: memref<4x8192xf32, #tpu.memory_space<vmem>>, %arg9: memref<4x2048xi32, #tpu.memory_space<vmem>>, %arg10: memref<4x2048xi32, #tpu.memory_space<vmem>>, %arg11: memref<4x2048xi32, #tpu.memory_space<vmem>>, %arg12: memref<4x2048xi32, #tpu.memory_space<vmem>>, %arg13: memref<4x2048xf32, #tpu.memory_space<vmem>>, %arg14: memref<4x2048xf32, #tpu.memory_space<vmem>>, %arg15: memref<4x2048xf32, #tpu.memory_space<vmem>>, %arg16: memref<4x2048xf32, #tpu.memory_space<vmem>>, %arg17: memref<!tpu.dma_semaphore, #tpu.memory_space<semaphore_mem>>, %arg18: memref<!tpu.dma_semaphore, #tpu.memory_space<semaphore_mem>>, %arg19: memref<!tpu.dma_semaphore, #tpu.memory_space<semaphore_mem>>, %arg20: memref<!tpu.dma_semaphore, #tpu.memory_space<semaphore_mem>>, %arg21: memref<!tpu.dma_semaphore, #tpu.memory_space<semaphore_mem>>, %arg22: memref<!tpu.dma_semaphore, #tpu.memory_space<semaphore_mem>>) attributes {dimension_semantics = [#tpu.dimension_semantics<core_parallel>, #tpu.dimension_semantics<subcore_parallel>], iteration_bounds = array<i64: 2, 16>, scalar_prefetch = 0 : i64, scratch_operands = 16 : i64, tpu.core_type = #tpu.core_type<sc_vector_subcore>, window_params = [{transform_indices = #map}, {transform_indices = #map}, {transform_indices = #map}, {transform_indices = #map}, {transform_indices = #map}]} {
    %mul3A = arith.constant 2 : i32
    %mul3A_0 = arith.muli %arg1, %mul3A : i32
    %add3A = arith.addi %mul3A_0, %arg0 : i32
    %mul3A_1 = arith.constant 128 : i32
    %mul3A_2 = arith.muli %add3A, %mul3A_1 : i32
    %add3A_3 = arith.constant 0 : i32
    %add3A_4 = arith.addi %mul3A_2, %add3A_3 : i32
    %dma_start3A = arith.constant 0 : i32
    %dma_start3A_5 = tpu.memref_slice %arg2[%add3A_4, %dma_start3A] : memref<4096x8192xf32, #tpu.memory_space<hbm>> -> memref<4x8192xf32, #tpu.memory_space<hbm>>
    %dma_start3A_6 = arith.constant 0 : i32
    %dma_start3A_7 = tpu.memref_slice %arg2[%add3A_4, %dma_start3A_6] : memref<4096x8192xf32, #tpu.memory_space<hbm>> -> memref<4x8192xf32, #tpu.memory_space<hbm>>
    tpu.enqueue_dma source(%dma_start3A_7 : memref<4x8192xf32, #tpu.memory_space<hbm>>) target(%arg7 : memref<4x8192xf32, #tpu.memory_space<vmem>>) target_semaphore(%arg17 : memref<!tpu.dma_semaphore, #tpu.memory_space<semaphore_mem>>)
    %dma_start3A_8 = arith.constant 0 : i32
    %dma_start3A_9 = tpu.memref_slice %arg3[%add3A_4, %dma_start3A_8] : memref<4096x2048xi32, #tpu.memory_space<hbm>> -> memref<4x2048xi32, #tpu.memory_space<hbm>>
    %dma_start3A_10 = arith.constant 0 : i32
    %dma_start3A_11 = tpu.memref_slice %arg3[%add3A_4, %dma_start3A_10] : memref<4096x2048xi32, #tpu.memory_space<hbm>> -> memref<4x2048xi32, #tpu.memory_space<hbm>>
    tpu.enqueue_dma source(%dma_start3A_11 : memref<4x2048xi32, #tpu.memory_space<hbm>>) target(%arg9 : memref<4x2048xi32, #tpu.memory_space<vmem>>) target_semaphore(%arg17 : memref<!tpu.dma_semaphore, #tpu.memory_space<semaphore_mem>>)
    %dma_start3A_12 = arith.constant 0 : i32
    %dma_start3A_13 = tpu.memref_slice %arg4[%add3A_4, %dma_start3A_12] : memref<4096x2048xi32, #tpu.memory_space<hbm>> -> memref<4x2048xi32, #tpu.memory_space<hbm>>
    %dma_start3A_14 = arith.constant 0 : i32
    %dma_start3A_15 = tpu.memref_slice %arg4[%add3A_4, %dma_start3A_14] : memref<4096x2048xi32, #tpu.memory_space<hbm>> -> memref<4x2048xi32, #tpu.memory_space<hbm>>
    tpu.enqueue_dma source(%dma_start3A_15 : memref<4x2048xi32, #tpu.memory_space<hbm>>) target(%arg11 : memref<4x2048xi32, #tpu.memory_space<vmem>>) target_semaphore(%arg17 : memref<!tpu.dma_semaphore, #tpu.memory_space<semaphore_mem>>)
    %scan3A = arith.constant 0 : i32
    %scan3A_16 = arith.constant 0 : i32
    %scan3A_17 = arith.constant 16 : i32
    %scan3A_18 = arith.addi %scan3A_16, %scan3A_17 : i32
    %scan3A_19 = arith.constant 1 : i32
    scf.for %scan3A_44 = %scan3A_16 to %scan3A_18 step %scan3A_19  : i32 {
      %mul3A_45 = arith.constant 2 : i32
      %mul3A_46 = arith.muli %mul3A_45, %scan3A_44 : i32
      %add3A_47 = arith.constant 1 : i32
      %add3A_48 = arith.addi %mul3A_46, %add3A_47 : i32
      %lt3A = arith.constant 32 : i32
      %lt3A_49 = arith.cmpi slt, %add3A_48, %lt3A : i32
      %convert_element_type3A = arith.extui %lt3A_49 : i1 to i32
      %cond3A = arith.constant 0 : i32
      %cond3A_50 = arith.cmpi ne, %convert_element_type3A, %cond3A : i32
      scf.if %cond3A_50 {
        %add3A_167 = arith.constant 1 : i32
        %add3A_168 = arith.addi %mul3A_46, %add3A_167 : i32
        %mul3A_169 = arith.constant 4 : i32
        %mul3A_170 = arith.muli %add3A_168, %mul3A_169 : i32
        %add3A_171 = arith.addi %mul3A_2, %mul3A_170 : i32
        %dma_start3A_172 = arith.constant 0 : i32
        %dma_start3A_173 = tpu.memref_slice %arg2[%add3A_171, %dma_start3A_172] : memref<4096x8192xf32, #tpu.memory_space<hbm>> -> memref<4x8192xf32, #tpu.memory_space<hbm>>
        %dma_start3A_174 = arith.constant 0 : i32
        %dma_start3A_175 = tpu.memref_slice %arg2[%add3A_171, %dma_start3A_174] : memref<4096x8192xf32, #tpu.memory_space<hbm>> -> memref<4x8192xf32, #tpu.memory_space<hbm>>
        tpu.enqueue_dma source(%dma_start3A_175 : memref<4x8192xf32, #tpu.memory_space<hbm>>) target(%arg8 : memref<4x8192xf32, #tpu.memory_space<vmem>>) target_semaphore(%arg18 : memref<!tpu.dma_semaphore, #tpu.memory_space<semaphore_mem>>)
        %dma_start3A_176 = arith.constant 0 : i32
        %dma_start3A_177 = tpu.memref_slice %arg3[%add3A_171, %dma_start3A_176] : memref<4096x2048xi32, #tpu.memory_space<hbm>> -> memref<4x2048xi32, #tpu.memory_space<hbm>>
        %dma_start3A_178 = arith.constant 0 : i32
        %dma_start3A_179 = tpu.memref_slice %arg3[%add3A_171, %dma_start3A_178] : memref<4096x2048xi32, #tpu.memory_space<hbm>> -> memref<4x2048xi32, #tpu.memory_space<hbm>>
        tpu.enqueue_dma source(%dma_start3A_179 : memref<4x2048xi32, #tpu.memory_space<hbm>>) target(%arg10 : memref<4x2048xi32, #tpu.memory_space<vmem>>) target_semaphore(%arg18 : memref<!tpu.dma_semaphore, #tpu.memory_space<semaphore_mem>>)
        %dma_start3A_180 = arith.constant 0 : i32
        %dma_start3A_181 = tpu.memref_slice %arg4[%add3A_171, %dma_start3A_180] : memref<4096x2048xi32, #tpu.memory_space<hbm>> -> memref<4x2048xi32, #tpu.memory_space<hbm>>
        %dma_start3A_182 = arith.constant 0 : i32
        %dma_start3A_183 = tpu.memref_slice %arg4[%add3A_171, %dma_start3A_182] : memref<4096x2048xi32, #tpu.memory_space<hbm>> -> memref<4x2048xi32, #tpu.memory_space<hbm>>
        tpu.enqueue_dma source(%dma_start3A_183 : memref<4x2048xi32, #tpu.memory_space<hbm>>) target(%arg12 : memref<4x2048xi32, #tpu.memory_space<vmem>>) target_semaphore(%arg18 : memref<!tpu.dma_semaphore, #tpu.memory_space<semaphore_mem>>)
      } else {
      }
      %mul3A_51 = arith.constant 4 : i32
      %mul3A_52 = arith.muli %mul3A_46, %mul3A_51 : i32
      %add3A_53 = arith.addi %mul3A_2, %mul3A_52 : i32
      %dma_wait3A_54 = arith.constant 0 : i32
      %dma_wait3A_55 = tpu.memref_slice %arg2[%add3A_53, %dma_wait3A_54] : memref<4096x8192xf32, #tpu.memory_space<hbm>> -> memref<4x8192xf32, #tpu.memory_space<hbm>>
      %dma_wait3A_56 = arith.constant 0 : i32
      %dma_wait3A_57 = tpu.memref_slice %arg2[%add3A_53, %dma_wait3A_56] : memref<4096x8192xf32, #tpu.memory_space<hbm>> -> memref<4x8192xf32, #tpu.memory_space<hbm>>
      tpu.wait_dma2 semaphore(%arg17 : memref<!tpu.dma_semaphore, #tpu.memory_space<semaphore_mem>>) src(%dma_wait3A_57 : memref<4x8192xf32, #tpu.memory_space<hbm>>) dst(%arg7 : memref<4x8192xf32, #tpu.memory_space<vmem>>)
      %dma_wait3A_58 = arith.constant 0 : i32
      %dma_wait3A_59 = tpu.memref_slice %arg3[%add3A_53, %dma_wait3A_58] : memref<4096x2048xi32, #tpu.memory_space<hbm>> -> memref<4x2048xi32, #tpu.memory_space<hbm>>
      %dma_wait3A_60 = arith.constant 0 : i32
      %dma_wait3A_61 = tpu.memref_slice %arg3[%add3A_53, %dma_wait3A_60] : memref<4096x2048xi32, #tpu.memory_space<hbm>> -> memref<4x2048xi32, #tpu.memory_space<hbm>>
      tpu.wait_dma2 semaphore(%arg17 : memref<!tpu.dma_semaphore, #tpu.memory_space<semaphore_mem>>) src(%dma_wait3A_61 : memref<4x2048xi32, #tpu.memory_space<hbm>>) dst(%arg9 : memref<4x2048xi32, #tpu.memory_space<vmem>>)
      %dma_wait3A_62 = arith.constant 0 : i32
      %dma_wait3A_63 = tpu.memref_slice %arg4[%add3A_53, %dma_wait3A_62] : memref<4096x2048xi32, #tpu.memory_space<hbm>> -> memref<4x2048xi32, #tpu.memory_space<hbm>>
      %dma_wait3A_64 = arith.constant 0 : i32
      %dma_wait3A_65 = tpu.memref_slice %arg4[%add3A_53, %dma_wait3A_64] : memref<4096x2048xi32, #tpu.memory_space<hbm>> -> memref<4x2048xi32, #tpu.memory_space<hbm>>
      tpu.wait_dma2 semaphore(%arg17 : memref<!tpu.dma_semaphore, #tpu.memory_space<semaphore_mem>>) src(%dma_wait3A_65 : memref<4x2048xi32, #tpu.memory_space<hbm>>) dst(%arg11 : memref<4x2048xi32, #tpu.memory_space<vmem>>)
      %ge3A = arith.constant 2 : i32
      %ge3A_66 = arith.cmpi sge, %mul3A_46, %ge3A : i32
      %convert_element_type3A_67 = arith.extui %ge3A_66 : i1 to i32
      %cond3A_68 = arith.constant 0 : i32
      %cond3A_69 = arith.cmpi ne, %convert_element_type3A_67, %cond3A_68 : i32
      scf.if %cond3A_69 {
        %sub3A = arith.constant 2 : i32
        %sub3A_167 = arith.subi %mul3A_46, %sub3A : i32
        %mul3A_168 = arith.constant 4 : i32
        %mul3A_169 = arith.muli %sub3A_167, %mul3A_168 : i32
        %add3A_170 = arith.addi %mul3A_2, %mul3A_169 : i32
        %dma_wait3A_171 = arith.constant 0 : i32
        %dma_wait3A_172 = tpu.memref_slice %arg5[%add3A_170, %dma_wait3A_171] : memref<4096x2048xf32, #tpu.memory_space<hbm>> -> memref<4x2048xf32, #tpu.memory_space<hbm>>
        %dma_wait3A_173 = arith.constant 0 : i32
        %dma_wait3A_174 = tpu.memref_slice %arg5[%add3A_170, %dma_wait3A_173] : memref<4096x2048xf32, #tpu.memory_space<hbm>> -> memref<4x2048xf32, #tpu.memory_space<hbm>>
        tpu.wait_dma2 semaphore(%arg19 : memref<!tpu.dma_semaphore, #tpu.memory_space<semaphore_mem>>) src(%arg13 : memref<4x2048xf32, #tpu.memory_space<vmem>>) dst(%dma_wait3A_174 : memref<4x2048xf32, #tpu.memory_space<hbm>>)
        %sub3A_175 = arith.constant 2 : i32
        %sub3A_176 = arith.subi %mul3A_46, %sub3A_175 : i32
        %mul3A_177 = arith.constant 4 : i32
        %mul3A_178 = arith.muli %sub3A_176, %mul3A_177 : i32
        %add3A_179 = arith.addi %mul3A_2, %mul3A_178 : i32
        %dma_wait3A_180 = arith.constant 0 : i32
        %dma_wait3A_181 = tpu.memref_slice %arg6[%add3A_179, %dma_wait3A_180] : memref<4096x2048xf32, #tpu.memory_space<hbm>> -> memref<4x2048xf32, #tpu.memory_space<hbm>>
        %dma_wait3A_182 = arith.constant 0 : i32
        %dma_wait3A_183 = tpu.memref_slice %arg6[%add3A_179, %dma_wait3A_182] : memref<4096x2048xf32, #tpu.memory_space<hbm>> -> memref<4x2048xf32, #tpu.memory_space<hbm>>
        tpu.wait_dma2 semaphore(%arg21 : memref<!tpu.dma_semaphore, #tpu.memory_space<semaphore_mem>>) src(%arg15 : memref<4x2048xf32, #tpu.memory_space<vmem>>) dst(%dma_wait3A_183 : memref<4x2048xf32, #tpu.memory_space<hbm>>)
      } else {
      }
      %broadcast_in_dim3A = arith.constant 0 : i32
      %broadcast_in_dim3A_70 = vector.broadcast %broadcast_in_dim3A : i32 to vector<16xi32>
      %parallel_loop3A = arith.constant 0 : i32
      %parallel_loop3A_71 = arith.constant 128 : i32
      %parallel_loop3A_72 = arith.constant 1 : i32
      scf.for %parallel_loop3A_167 = %parallel_loop3A to %parallel_loop3A_71 step %parallel_loop3A_72  : i32 {
        %parallel_loop3A_168 = arith.constant 16 : i32
        %parallel_loop3A_169 = arith.muli %parallel_loop3A_167, %parallel_loop3A_168 : i32
        %parallel_loop3A_170 = arith.constant 0 : i32
        %parallel_loop3A_171 = arith.index_cast %parallel_loop3A_170 : i32 to index
        %parallel_loop3A_172 = arith.index_cast %parallel_loop3A_169 : i32 to index
        %parallel_loop3A_173 = tpu.vector_load %arg9[%parallel_loop3A_171, %parallel_loop3A_172] {strides = array<i32>} : memref<4x2048xi32, #tpu.memory_space<vmem>>, vector<16xi32>,
        %parallel_loop3A_174 = tpu.vector_load_idx %arg7[%broadcast_in_dim3A_70, %parallel_loop3A_173] : memref<4x8192xf32, #tpu.memory_space<vmem>>[vector<16xi32>, vector<16xi32>], vector<16xf32>,
        %parallel_loop3A_175 = arith.constant 0 : i32
        %parallel_loop3A_176 = arith.index_cast %parallel_loop3A_175 : i32 to index
        %parallel_loop3A_177 = arith.index_cast %parallel_loop3A_169 : i32 to index
        %parallel_loop3A_178 = tpu.vector_load %arg13[%parallel_loop3A_176, %parallel_loop3A_177] {strides = array<i32>} : memref<4x2048xf32, #tpu.memory_space<vmem>>, vector<16xf32>,
        tpu.vector_store %arg13[%parallel_loop3A_176, %parallel_loop3A_177], %parallel_loop3A_174 {strides = array<i32>} : memref<4x2048xf32, #tpu.memory_space<vmem>>, vector<16xf32>,
        %parallel_loop3A_179 = arith.constant 0 : i32
        %parallel_loop3A_180 = arith.index_cast %parallel_loop3A_179 : i32 to index
        %parallel_loop3A_181 = arith.index_cast %parallel_loop3A_169 : i32 to index
        %parallel_loop3A_182 = tpu.vector_load %arg11[%parallel_loop3A_180, %parallel_loop3A_181] {strides = array<i32>} : memref<4x2048xi32, #tpu.memory_space<vmem>>, vector<16xi32>,
        %parallel_loop3A_183 = tpu.vector_load_idx %arg7[%broadcast_in_dim3A_70, %parallel_loop3A_182] : memref<4x8192xf32, #tpu.memory_space<vmem>>[vector<16xi32>, vector<16xi32>], vector<16xf32>,
        %parallel_loop3A_184 = arith.constant 0 : i32
        %parallel_loop3A_185 = arith.index_cast %parallel_loop3A_184 : i32 to index
        %parallel_loop3A_186 = arith.index_cast %parallel_loop3A_169 : i32 to index
        %parallel_loop3A_187 = tpu.vector_load %arg15[%parallel_loop3A_185, %parallel_loop3A_186] {strides = array<i32>} : memref<4x2048xf32, #tpu.memory_space<vmem>>, vector<16xf32>,
        tpu.vector_store %arg15[%parallel_loop3A_185, %parallel_loop3A_186], %parallel_loop3A_183 {strides = array<i32>} : memref<4x2048xf32, #tpu.memory_space<vmem>>, vector<16xf32>,
      } {sc.loop_unroll_factor = 4 : i64, sc.parallel_access}
      %broadcast_in_dim3A_73 = arith.constant 1 : i32
      %broadcast_in_dim3A_74 = vector.broadcast %broadcast_in_dim3A_73 : i32 to vector<16xi32>
      %parallel_loop3A_75 = arith.constant 0 : i32
      %parallel_loop3A_76 = arith.constant 128 : i32
      %parallel_loop3A_77 = arith.constant 1 : i32
      scf.for %parallel_loop3A_167 = %parallel_loop3A_75 to %parallel_loop3A_76 step %parallel_loop3A_77  : i32 {
        %parallel_loop3A_168 = arith.constant 16 : i32
        %parallel_loop3A_169 = arith.muli %parallel_loop3A_167, %parallel_loop3A_168 : i32
        %parallel_loop3A_170 = arith.constant 1 : i32
        %parallel_loop3A_171 = arith.index_cast %parallel_loop3A_170 : i32 to index
        %parallel_loop3A_172 = arith.index_cast %parallel_loop3A_169 : i32 to index
        %parallel_loop3A_173 = tpu.vector_load %arg9[%parallel_loop3A_171, %parallel_loop3A_172] {strides = array<i32>} : memref<4x2048xi32, #tpu.memory_space<vmem>>, vector<16xi32>,
        %parallel_loop3A_174 = tpu.vector_load_idx %arg7[%broadcast_in_dim3A_74, %parallel_loop3A_173] : memref<4x8192xf32, #tpu.memory_space<vmem>>[vector<16xi32>, vector<16xi32>], vector<16xf32>,
        %parallel_loop3A_175 = arith.constant 1 : i32
        %parallel_loop3A_176 = arith.index_cast %parallel_loop3A_175 : i32 to index
        %parallel_loop3A_177 = arith.index_cast %parallel_loop3A_169 : i32 to index
        %parallel_loop3A_178 = tpu.vector_load %arg13[%parallel_loop3A_176, %parallel_loop3A_177] {strides = array<i32>} : memref<4x2048xf32, #tpu.memory_space<vmem>>, vector<16xf32>,
        tpu.vector_store %arg13[%parallel_loop3A_176, %parallel_loop3A_177], %parallel_loop3A_174 {strides = array<i32>} : memref<4x2048xf32, #tpu.memory_space<vmem>>, vector<16xf32>,
        %parallel_loop3A_179 = arith.constant 1 : i32
        %parallel_loop3A_180 = arith.index_cast %parallel_loop3A_179 : i32 to index
        %parallel_loop3A_181 = arith.index_cast %parallel_loop3A_169 : i32 to index
        %parallel_loop3A_182 = tpu.vector_load %arg11[%parallel_loop3A_180, %parallel_loop3A_181] {strides = array<i32>} : memref<4x2048xi32, #tpu.memory_space<vmem>>, vector<16xi32>,
        %parallel_loop3A_183 = tpu.vector_load_idx %arg7[%broadcast_in_dim3A_74, %parallel_loop3A_182] : memref<4x8192xf32, #tpu.memory_space<vmem>>[vector<16xi32>, vector<16xi32>], vector<16xf32>,
        %parallel_loop3A_184 = arith.constant 1 : i32
        %parallel_loop3A_185 = arith.index_cast %parallel_loop3A_184 : i32 to index
        %parallel_loop3A_186 = arith.index_cast %parallel_loop3A_169 : i32 to index
        %parallel_loop3A_187 = tpu.vector_load %arg15[%parallel_loop3A_185, %parallel_loop3A_186] {strides = array<i32>} : memref<4x2048xf32, #tpu.memory_space<vmem>>, vector<16xf32>,
        tpu.vector_store %arg15[%parallel_loop3A_185, %parallel_loop3A_186], %parallel_loop3A_183 {strides = array<i32>} : memref<4x2048xf32, #tpu.memory_space<vmem>>, vector<16xf32>,
      } {sc.loop_unroll_factor = 4 : i64, sc.parallel_access}
      %broadcast_in_dim3A_78 = arith.constant 2 : i32
      %broadcast_in_dim3A_79 = vector.broadcast %broadcast_in_dim3A_78 : i32 to vector<16xi32>
      %parallel_loop3A_80 = arith.constant 0 : i32
      %parallel_loop3A_81 = arith.constant 128 : i32
      %parallel_loop3A_82 = arith.constant 1 : i32
      scf.for %parallel_loop3A_167 = %parallel_loop3A_80 to %parallel_loop3A_81 step %parallel_loop3A_82  : i32 {
        %parallel_loop3A_168 = arith.constant 16 : i32
        %parallel_loop3A_169 = arith.muli %parallel_loop3A_167, %parallel_loop3A_168 : i32
        %parallel_loop3A_170 = arith.constant 2 : i32
        %parallel_loop3A_171 = arith.index_cast %parallel_loop3A_170 : i32 to index
        %parallel_loop3A_172 = arith.index_cast %parallel_loop3A_169 : i32 to index
        %parallel_loop3A_173 = tpu.vector_load %arg9[%parallel_loop3A_171, %parallel_loop3A_172] {strides = array<i32>} : memref<4x2048xi32, #tpu.memory_space<vmem>>, vector<16xi32>,
        %parallel_loop3A_174 = tpu.vector_load_idx %arg7[%broadcast_in_dim3A_79, %parallel_loop3A_173] : memref<4x8192xf32, #tpu.memory_space<vmem>>[vector<16xi32>, vector<16xi32>], vector<16xf32>,
        %parallel_loop3A_175 = arith.constant 2 : i32
        %parallel_loop3A_176 = arith.index_cast %parallel_loop3A_175 : i32 to index
        %parallel_loop3A_177 = arith.index_cast %parallel_loop3A_169 : i32 to index
        %parallel_loop3A_178 = tpu.vector_load %arg13[%parallel_loop3A_176, %parallel_loop3A_177] {strides = array<i32>} : memref<4x2048xf32, #tpu.memory_space<vmem>>, vector<16xf32>,
        tpu.vector_store %arg13[%parallel_loop3A_176, %parallel_loop3A_177], %parallel_loop3A_174 {strides = array<i32>} : memref<4x2048xf32, #tpu.memory_space<vmem>>, vector<16xf32>,
        %parallel_loop3A_179 = arith.constant 2 : i32
        %parallel_loop3A_180 = arith.index_cast %parallel_loop3A_179 : i32 to index
        %parallel_loop3A_181 = arith.index_cast %parallel_loop3A_169 : i32 to index
        %parallel_loop3A_182 = tpu.vector_load %arg11[%parallel_loop3A_180, %parallel_loop3A_181] {strides = array<i32>} : memref<4x2048xi32, #tpu.memory_space<vmem>>, vector<16xi32>,
        %parallel_loop3A_183 = tpu.vector_load_idx %arg7[%broadcast_in_dim3A_79, %parallel_loop3A_182] : memref<4x8192xf32, #tpu.memory_space<vmem>>[vector<16xi32>, vector<16xi32>], vector<16xf32>,
        %parallel_loop3A_184 = arith.constant 2 : i32
        %parallel_loop3A_185 = arith.index_cast %parallel_loop3A_184 : i32 to index
        %parallel_loop3A_186 = arith.index_cast %parallel_loop3A_169 : i32 to index
        %parallel_loop3A_187 = tpu.vector_load %arg15[%parallel_loop3A_185, %parallel_loop3A_186] {strides = array<i32>} : memref<4x2048xf32, #tpu.memory_space<vmem>>, vector<16xf32>,
        tpu.vector_store %arg15[%parallel_loop3A_185, %parallel_loop3A_186], %parallel_loop3A_183 {strides = array<i32>} : memref<4x2048xf32, #tpu.memory_space<vmem>>, vector<16xf32>,
      } {sc.loop_unroll_factor = 4 : i64, sc.parallel_access}
      %broadcast_in_dim3A_83 = arith.constant 3 : i32
      %broadcast_in_dim3A_84 = vector.broadcast %broadcast_in_dim3A_83 : i32 to vector<16xi32>
      %parallel_loop3A_85 = arith.constant 0 : i32
      %parallel_loop3A_86 = arith.constant 128 : i32
      %parallel_loop3A_87 = arith.constant 1 : i32
      scf.for %parallel_loop3A_167 = %parallel_loop3A_85 to %parallel_loop3A_86 step %parallel_loop3A_87  : i32 {
        %parallel_loop3A_168 = arith.constant 16 : i32
        %parallel_loop3A_169 = arith.muli %parallel_loop3A_167, %parallel_loop3A_168 : i32
        %parallel_loop3A_170 = arith.constant 3 : i32
        %parallel_loop3A_171 = arith.index_cast %parallel_loop3A_170 : i32 to index
        %parallel_loop3A_172 = arith.index_cast %parallel_loop3A_169 : i32 to index
        %parallel_loop3A_173 = tpu.vector_load %arg9[%parallel_loop3A_171, %parallel_loop3A_172] {strides = array<i32>} : memref<4x2048xi32, #tpu.memory_space<vmem>>, vector<16xi32>,
        %parallel_loop3A_174 = tpu.vector_load_idx %arg7[%broadcast_in_dim3A_84, %parallel_loop3A_173] : memref<4x8192xf32, #tpu.memory_space<vmem>>[vector<16xi32>, vector<16xi32>], vector<16xf32>,
        %parallel_loop3A_175 = arith.constant 3 : i32
        %parallel_loop3A_176 = arith.index_cast %parallel_loop3A_175 : i32 to index
        %parallel_loop3A_177 = arith.index_cast %parallel_loop3A_169 : i32 to index
        %parallel_loop3A_178 = tpu.vector_load %arg13[%parallel_loop3A_176, %parallel_loop3A_177] {strides = array<i32>} : memref<4x2048xf32, #tpu.memory_space<vmem>>, vector<16xf32>,
        tpu.vector_store %arg13[%parallel_loop3A_176, %parallel_loop3A_177], %parallel_loop3A_174 {strides = array<i32>} : memref<4x2048xf32, #tpu.memory_space<vmem>>, vector<16xf32>,
        %parallel_loop3A_179 = arith.constant 3 : i32
        %parallel_loop3A_180 = arith.index_cast %parallel_loop3A_179 : i32 to index
        %parallel_loop3A_181 = arith.index_cast %parallel_loop3A_169 : i32 to index
        %parallel_loop3A_182 = tpu.vector_load %arg11[%parallel_loop3A_180, %parallel_loop3A_181] {strides = array<i32>} : memref<4x2048xi32, #tpu.memory_space<vmem>>, vector<16xi32>,
        %parallel_loop3A_183 = tpu.vector_load_idx %arg7[%broadcast_in_dim3A_84, %parallel_loop3A_182] : memref<4x8192xf32, #tpu.memory_space<vmem>>[vector<16xi32>, vector<16xi32>], vector<16xf32>,
        %parallel_loop3A_184 = arith.constant 3 : i32
        %parallel_loop3A_185 = arith.index_cast %parallel_loop3A_184 : i32 to index
        %parallel_loop3A_186 = arith.index_cast %parallel_loop3A_169 : i32 to index
        %parallel_loop3A_187 = tpu.vector_load %arg15[%parallel_loop3A_185, %parallel_loop3A_186] {strides = array<i32>} : memref<4x2048xf32, #tpu.memory_space<vmem>>, vector<16xf32>,
        tpu.vector_store %arg15[%parallel_loop3A_185, %parallel_loop3A_186], %parallel_loop3A_183 {strides = array<i32>} : memref<4x2048xf32, #tpu.memory_space<vmem>>, vector<16xf32>,
      } {sc.loop_unroll_factor = 4 : i64, sc.parallel_access}
      %mul3A_88 = arith.constant 4 : i32
      %mul3A_89 = arith.muli %mul3A_46, %mul3A_88 : i32
      %add3A_90 = arith.addi %mul3A_2, %mul3A_89 : i32
      %dma_start3A_91 = arith.constant 0 : i32
      %dma_start3A_92 = tpu.memref_slice %arg6[%add3A_90, %dma_start3A_91] : memref<4096x2048xf32, #tpu.memory_space<hbm>> -> memref<4x2048xf32, #tpu.memory_space<hbm>>
      %dma_start3A_93 = arith.constant 0 : i32
      %dma_start3A_94 = tpu.memref_slice %arg6[%add3A_90, %dma_start3A_93] : memref<4096x2048xf32, #tpu.memory_space<hbm>> -> memref<4x2048xf32, #tpu.memory_space<hbm>>
      tpu.enqueue_dma source(%arg15 : memref<4x2048xf32, #tpu.memory_space<vmem>>) target(%dma_start3A_94 : memref<4x2048xf32, #tpu.memory_space<hbm>>) target_semaphore(%arg21 : memref<!tpu.dma_semaphore, #tpu.memory_space<semaphore_mem>>)
      %mul3A_95 = arith.constant 4 : i32
      %mul3A_96 = arith.muli %mul3A_46, %mul3A_95 : i32
      %add3A_97 = arith.addi %mul3A_2, %mul3A_96 : i32
      %dma_start3A_98 = arith.constant 0 : i32
      %dma_start3A_99 = tpu.memref_slice %arg5[%add3A_97, %dma_start3A_98] : memref<4096x2048xf32, #tpu.memory_space<hbm>> -> memref<4x2048xf32, #tpu.memory_space<hbm>>
      %dma_start3A_100 = arith.constant 0 : i32
      %dma_start3A_101 = tpu.memref_slice %arg5[%add3A_97, %dma_start3A_100] : memref<4096x2048xf32, #tpu.memory_space<hbm>> -> memref<4x2048xf32, #tpu.memory_space<hbm>>
      tpu.enqueue_dma source(%arg13 : memref<4x2048xf32, #tpu.memory_space<vmem>>) target(%dma_start3A_101 : memref<4x2048xf32, #tpu.memory_space<hbm>>) target_semaphore(%arg19 : memref<!tpu.dma_semaphore, #tpu.memory_space<semaphore_mem>>)
      %mul3A_102 = arith.constant 2 : i32
      %mul3A_103 = arith.muli %mul3A_102, %scan3A_44 : i32
      %add3A_104 = arith.constant 1 : i32
      %add3A_105 = arith.addi %mul3A_103, %add3A_104 : i32
      %add3A_106 = arith.constant 1 : i32
      %add3A_107 = arith.addi %add3A_105, %add3A_106 : i32
      %lt3A_108 = arith.constant 32 : i32
      %lt3A_109 = arith.cmpi slt, %add3A_107, %lt3A_108 : i32
      %convert_element_type3A_110 = arith.extui %lt3A_109 : i1 to i32
      %cond3A_111 = arith.constant 0 : i32
      %cond3A_112 = arith.cmpi ne, %convert_element_type3A_110, %cond3A_111 : i32
      scf.if %cond3A_112 {
        %add3A_167 = arith.constant 1 : i32
        %add3A_168 = arith.addi %add3A_105, %add3A_167 : i32
        %mul3A_169 = arith.constant 4 : i32
        %mul3A_170 = arith.muli %add3A_168, %mul3A_169 : i32
        %add3A_171 = arith.addi %mul3A_2, %mul3A_170 : i32
        %dma_start3A_172 = arith.constant 0 : i32
        %dma_start3A_173 = tpu.memref_slice %arg2[%add3A_171, %dma_start3A_172] : memref<4096x8192xf32, #tpu.memory_space<hbm>> -> memref<4x8192xf32, #tpu.memory_space<hbm>>
        %dma_start3A_174 = arith.constant 0 : i32
        %dma_start3A_175 = tpu.memref_slice %arg2[%add3A_171, %dma_start3A_174] : memref<4096x8192xf32, #tpu.memory_space<hbm>> -> memref<4x8192xf32, #tpu.memory_space<hbm>>
        tpu.enqueue_dma source(%dma_start3A_175 : memref<4x8192xf32, #tpu.memory_space<hbm>>) target(%arg7 : memref<4x8192xf32, #tpu.memory_space<vmem>>) target_semaphore(%arg17 : memref<!tpu.dma_semaphore, #tpu.memory_space<semaphore_mem>>)
        %dma_start3A_176 = arith.constant 0 : i32
        %dma_start3A_177 = tpu.memref_slice %arg3[%add3A_171, %dma_start3A_176] : memref<4096x2048xi32, #tpu.memory_space<hbm>> -> memref<4x2048xi32, #tpu.memory_space<hbm>>
        %dma_start3A_178 = arith.constant 0 : i32
        %dma_start3A_179 = tpu.memref_slice %arg3[%add3A_171, %dma_start3A_178] : memref<4096x2048xi32, #tpu.memory_space<hbm>> -> memref<4x2048xi32, #tpu.memory_space<hbm>>
        tpu.enqueue_dma source(%dma_start3A_179 : memref<4x2048xi32, #tpu.memory_space<hbm>>) target(%arg9 : memref<4x2048xi32, #tpu.memory_space<vmem>>) target_semaphore(%arg17 : memref<!tpu.dma_semaphore, #tpu.memory_space<semaphore_mem>>)
        %dma_start3A_180 = arith.constant 0 : i32
        %dma_start3A_181 = tpu.memref_slice %arg4[%add3A_171, %dma_start3A_180] : memref<4096x2048xi32, #tpu.memory_space<hbm>> -> memref<4x2048xi32, #tpu.memory_space<hbm>>
        %dma_start3A_182 = arith.constant 0 : i32
        %dma_start3A_183 = tpu.memref_slice %arg4[%add3A_171, %dma_start3A_182] : memref<4096x2048xi32, #tpu.memory_space<hbm>> -> memref<4x2048xi32, #tpu.memory_space<hbm>>
        tpu.enqueue_dma source(%dma_start3A_183 : memref<4x2048xi32, #tpu.memory_space<hbm>>) target(%arg11 : memref<4x2048xi32, #tpu.memory_space<vmem>>) target_semaphore(%arg17 : memref<!tpu.dma_semaphore, #tpu.memory_space<semaphore_mem>>)
      } else {
      }
      %mul3A_113 = arith.constant 4 : i32
      %mul3A_114 = arith.muli %add3A_105, %mul3A_113 : i32
      %add3A_115 = arith.addi %mul3A_2, %mul3A_114 : i32
      %dma_wait3A_116 = arith.constant 0 : i32
      %dma_wait3A_117 = tpu.memref_slice %arg2[%add3A_115, %dma_wait3A_116] : memref<4096x8192xf32, #tpu.memory_space<hbm>> -> memref<4x8192xf32, #tpu.memory_space<hbm>>
      %dma_wait3A_118 = arith.constant 0 : i32
      %dma_wait3A_119 = tpu.memref_slice %arg2[%add3A_115, %dma_wait3A_118] : memref<4096x8192xf32, #tpu.memory_space<hbm>> -> memref<4x8192xf32, #tpu.memory_space<hbm>>
      tpu.wait_dma2 semaphore(%arg18 : memref<!tpu.dma_semaphore, #tpu.memory_space<semaphore_mem>>) src(%dma_wait3A_119 : memref<4x8192xf32, #tpu.memory_space<hbm>>) dst(%arg8 : memref<4x8192xf32, #tpu.memory_space<vmem>>)
      %dma_wait3A_120 = arith.constant 0 : i32
      %dma_wait3A_121 = tpu.memref_slice %arg3[%add3A_115, %dma_wait3A_120] : memref<4096x2048xi32, #tpu.memory_space<hbm>> -> memref<4x2048xi32, #tpu.memory_space<hbm>>
      %dma_wait3A_122 = arith.constant 0 : i32
      %dma_wait3A_123 = tpu.memref_slice %arg3[%add3A_115, %dma_wait3A_122] : memref<4096x2048xi32, #tpu.memory_space<hbm>> -> memref<4x2048xi32, #tpu.memory_space<hbm>>
      tpu.wait_dma2 semaphore(%arg18 : memref<!tpu.dma_semaphore, #tpu.memory_space<semaphore_mem>>) src(%dma_wait3A_123 : memref<4x2048xi32, #tpu.memory_space<hbm>>) dst(%arg10 : memref<4x2048xi32, #tpu.memory_space<vmem>>)
      %dma_wait3A_124 = arith.constant 0 : i32
      %dma_wait3A_125 = tpu.memref_slice %arg4[%add3A_115, %dma_wait3A_124] : memref<4096x2048xi32, #tpu.memory_space<hbm>> -> memref<4x2048xi32, #tpu.memory_space<hbm>>
      %dma_wait3A_126 = arith.constant 0 : i32
      %dma_wait3A_127 = tpu.memref_slice %arg4[%add3A_115, %dma_wait3A_126] : memref<4096x2048xi32, #tpu.memory_space<hbm>> -> memref<4x2048xi32, #tpu.memory_space<hbm>>
      tpu.wait_dma2 semaphore(%arg18 : memref<!tpu.dma_semaphore, #tpu.memory_space<semaphore_mem>>) src(%dma_wait3A_127 : memref<4x2048xi32, #tpu.memory_space<hbm>>) dst(%arg12 : memref<4x2048xi32, #tpu.memory_space<vmem>>)
      %ge3A_128 = arith.constant 2 : i32
      %ge3A_129 = arith.cmpi sge, %add3A_105, %ge3A_128 : i32
      %convert_element_type3A_130 = arith.extui %ge3A_129 : i1 to i32
      %cond3A_131 = arith.constant 0 : i32
      %cond3A_132 = arith.cmpi ne, %convert_element_type3A_130, %cond3A_131 : i32
      scf.if %cond3A_132 {
        %sub3A = arith.constant 2 : i32
        %sub3A_167 = arith.subi %add3A_105, %sub3A : i32
        %mul3A_168 = arith.constant 4 : i32
        %mul3A_169 = arith.muli %sub3A_167, %mul3A_168 : i32
        %add3A_170 = arith.addi %mul3A_2, %mul3A_169 : i32
        %dma_wait3A_171 = arith.constant 0 : i32
        %dma_wait3A_172 = tpu.memref_slice %arg5[%add3A_170, %dma_wait3A_171] : memref<4096x2048xf32, #tpu.memory_space<hbm>> -> memref<4x2048xf32, #tpu.memory_space<hbm>>
        %dma_wait3A_173 = arith.constant 0 : i32
        %dma_wait3A_174 = tpu.memref_slice %arg5[%add3A_170, %dma_wait3A_173] : memref<4096x2048xf32, #tpu.memory_space<hbm>> -> memref<4x2048xf32, #tpu.memory_space<hbm>>
        tpu.wait_dma2 semaphore(%arg20 : memref<!tpu.dma_semaphore, #tpu.memory_space<semaphore_mem>>) src(%arg14 : memref<4x2048xf32, #tpu.memory_space<vmem>>) dst(%dma_wait3A_174 : memref<4x2048xf32, #tpu.memory_space<hbm>>)
        %sub3A_175 = arith.constant 2 : i32
        %sub3A_176 = arith.subi %add3A_105, %sub3A_175 : i32
        %mul3A_177 = arith.constant 4 : i32
        %mul3A_178 = arith.muli %sub3A_176, %mul3A_177 : i32
        %add3A_179 = arith.addi %mul3A_2, %mul3A_178 : i32
        %dma_wait3A_180 = arith.constant 0 : i32
        %dma_wait3A_181 = tpu.memref_slice %arg6[%add3A_179, %dma_wait3A_180] : memref<4096x2048xf32, #tpu.memory_space<hbm>> -> memref<4x2048xf32, #tpu.memory_space<hbm>>
        %dma_wait3A_182 = arith.constant 0 : i32
        %dma_wait3A_183 = tpu.memref_slice %arg6[%add3A_179, %dma_wait3A_182] : memref<4096x2048xf32, #tpu.memory_space<hbm>> -> memref<4x2048xf32, #tpu.memory_space<hbm>>
        tpu.wait_dma2 semaphore(%arg22 : memref<!tpu.dma_semaphore, #tpu.memory_space<semaphore_mem>>) src(%arg16 : memref<4x2048xf32, #tpu.memory_space<vmem>>) dst(%dma_wait3A_183 : memref<4x2048xf32, #tpu.memory_space<hbm>>)
      } else {
      }
      %broadcast_in_dim3A_133 = arith.constant 0 : i32
      %broadcast_in_dim3A_134 = vector.broadcast %broadcast_in_dim3A_133 : i32 to vector<16xi32>
      %parallel_loop3A_135 = arith.constant 0 : i32
      %parallel_loop3A_136 = arith.constant 128 : i32
      %parallel_loop3A_137 = arith.constant 1 : i32
      scf.for %parallel_loop3A_167 = %parallel_loop3A_135 to %parallel_loop3A_136 step %parallel_loop3A_137  : i32 {
        %parallel_loop3A_168 = arith.constant 16 : i32
        %parallel_loop3A_169 = arith.muli %parallel_loop3A_167, %parallel_loop3A_168 : i32
        %parallel_loop3A_170 = arith.constant 0 : i32
        %parallel_loop3A_171 = arith.index_cast %parallel_loop3A_170 : i32 to index
        %parallel_loop3A_172 = arith.index_cast %parallel_loop3A_169 : i32 to index
        %parallel_loop3A_173 = tpu.vector_load %arg10[%parallel_loop3A_171, %parallel_loop3A_172] {strides = array<i32>} : memref<4x2048xi32, #tpu.memory_space<vmem>>, vector<16xi32>,
        %parallel_loop3A_174 = tpu.vector_load_idx %arg8[%broadcast_in_dim3A_134, %parallel_loop3A_173] : memref<4x8192xf32, #tpu.memory_space<vmem>>[vector<16xi32>, vector<16xi32>], vector<16xf32>,
        %parallel_loop3A_175 = arith.constant 0 : i32
        %parallel_loop3A_176 = arith.index_cast %parallel_loop3A_175 : i32 to index
        %parallel_loop3A_177 = arith.index_cast %parallel_loop3A_169 : i32 to index
        %parallel_loop3A_178 = tpu.vector_load %arg14[%parallel_loop3A_176, %parallel_loop3A_177] {strides = array<i32>} : memref<4x2048xf32, #tpu.memory_space<vmem>>, vector<16xf32>,
        tpu.vector_store %arg14[%parallel_loop3A_176, %parallel_loop3A_177], %parallel_loop3A_174 {strides = array<i32>} : memref<4x2048xf32, #tpu.memory_space<vmem>>, vector<16xf32>,
        %parallel_loop3A_179 = arith.constant 0 : i32
        %parallel_loop3A_180 = arith.index_cast %parallel_loop3A_179 : i32 to index
        %parallel_loop3A_181 = arith.index_cast %parallel_loop3A_169 : i32 to index
        %parallel_loop3A_182 = tpu.vector_load %arg12[%parallel_loop3A_180, %parallel_loop3A_181] {strides = array<i32>} : memref<4x2048xi32, #tpu.memory_space<vmem>>, vector<16xi32>,
        %parallel_loop3A_183 = tpu.vector_load_idx %arg8[%broadcast_in_dim3A_134, %parallel_loop3A_182] : memref<4x8192xf32, #tpu.memory_space<vmem>>[vector<16xi32>, vector<16xi32>], vector<16xf32>,
        %parallel_loop3A_184 = arith.constant 0 : i32
        %parallel_loop3A_185 = arith.index_cast %parallel_loop3A_184 : i32 to index
        %parallel_loop3A_186 = arith.index_cast %parallel_loop3A_169 : i32 to index
        %parallel_loop3A_187 = tpu.vector_load %arg16[%parallel_loop3A_185, %parallel_loop3A_186] {strides = array<i32>} : memref<4x2048xf32, #tpu.memory_space<vmem>>, vector<16xf32>,
        tpu.vector_store %arg16[%parallel_loop3A_185, %parallel_loop3A_186], %parallel_loop3A_183 {strides = array<i32>} : memref<4x2048xf32, #tpu.memory_space<vmem>>, vector<16xf32>,
      } {sc.loop_unroll_factor = 4 : i64, sc.parallel_access}
      %broadcast_in_dim3A_138 = arith.constant 1 : i32
      %broadcast_in_dim3A_139 = vector.broadcast %broadcast_in_dim3A_138 : i32 to vector<16xi32>
      %parallel_loop3A_140 = arith.constant 0 : i32
      %parallel_loop3A_141 = arith.constant 128 : i32
      %parallel_loop3A_142 = arith.constant 1 : i32
      scf.for %parallel_loop3A_167 = %parallel_loop3A_140 to %parallel_loop3A_141 step %parallel_loop3A_142  : i32 {
        %parallel_loop3A_168 = arith.constant 16 : i32
        %parallel_loop3A_169 = arith.muli %parallel_loop3A_167, %parallel_loop3A_168 : i32
        %parallel_loop3A_170 = arith.constant 1 : i32
        %parallel_loop3A_171 = arith.index_cast %parallel_loop3A_170 : i32 to index
        %parallel_loop3A_172 = arith.index_cast %parallel_loop3A_169 : i32 to index
        %parallel_loop3A_173 = tpu.vector_load %arg10[%parallel_loop3A_171, %parallel_loop3A_172] {strides = array<i32>} : memref<4x2048xi32, #tpu.memory_space<vmem>>, vector<16xi32>,
        %parallel_loop3A_174 = tpu.vector_load_idx %arg8[%broadcast_in_dim3A_139, %parallel_loop3A_173] : memref<4x8192xf32, #tpu.memory_space<vmem>>[vector<16xi32>, vector<16xi32>], vector<16xf32>,
        %parallel_loop3A_175 = arith.constant 1 : i32
        %parallel_loop3A_176 = arith.index_cast %parallel_loop3A_175 : i32 to index
        %parallel_loop3A_177 = arith.index_cast %parallel_loop3A_169 : i32 to index
        %parallel_loop3A_178 = tpu.vector_load %arg14[%parallel_loop3A_176, %parallel_loop3A_177] {strides = array<i32>} : memref<4x2048xf32, #tpu.memory_space<vmem>>, vector<16xf32>,
        tpu.vector_store %arg14[%parallel_loop3A_176, %parallel_loop3A_177], %parallel_loop3A_174 {strides = array<i32>} : memref<4x2048xf32, #tpu.memory_space<vmem>>, vector<16xf32>,
        %parallel_loop3A_179 = arith.constant 1 : i32
        %parallel_loop3A_180 = arith.index_cast %parallel_loop3A_179 : i32 to index
        %parallel_loop3A_181 = arith.index_cast %parallel_loop3A_169 : i32 to index
        %parallel_loop3A_182 = tpu.vector_load %arg12[%parallel_loop3A_180, %parallel_loop3A_181] {strides = array<i32>} : memref<4x2048xi32, #tpu.memory_space<vmem>>, vector<16xi32>,
        %parallel_loop3A_183 = tpu.vector_load_idx %arg8[%broadcast_in_dim3A_139, %parallel_loop3A_182] : memref<4x8192xf32, #tpu.memory_space<vmem>>[vector<16xi32>, vector<16xi32>], vector<16xf32>,
        %parallel_loop3A_184 = arith.constant 1 : i32
        %parallel_loop3A_185 = arith.index_cast %parallel_loop3A_184 : i32 to index
        %parallel_loop3A_186 = arith.index_cast %parallel_loop3A_169 : i32 to index
        %parallel_loop3A_187 = tpu.vector_load %arg16[%parallel_loop3A_185, %parallel_loop3A_186] {strides = array<i32>} : memref<4x2048xf32, #tpu.memory_space<vmem>>, vector<16xf32>,
        tpu.vector_store %arg16[%parallel_loop3A_185, %parallel_loop3A_186], %parallel_loop3A_183 {strides = array<i32>} : memref<4x2048xf32, #tpu.memory_space<vmem>>, vector<16xf32>,
      } {sc.loop_unroll_factor = 4 : i64, sc.parallel_access}
      %broadcast_in_dim3A_143 = arith.constant 2 : i32
      %broadcast_in_dim3A_144 = vector.broadcast %broadcast_in_dim3A_143 : i32 to vector<16xi32>
      %parallel_loop3A_145 = arith.constant 0 : i32
      %parallel_loop3A_146 = arith.constant 128 : i32
      %parallel_loop3A_147 = arith.constant 1 : i32
      scf.for %parallel_loop3A_167 = %parallel_loop3A_145 to %parallel_loop3A_146 step %parallel_loop3A_147  : i32 {
        %parallel_loop3A_168 = arith.constant 16 : i32
        %parallel_loop3A_169 = arith.muli %parallel_loop3A_167, %parallel_loop3A_168 : i32
        %parallel_loop3A_170 = arith.constant 2 : i32
        %parallel_loop3A_171 = arith.index_cast %parallel_loop3A_170 : i32 to index
        %parallel_loop3A_172 = arith.index_cast %parallel_loop3A_169 : i32 to index
        %parallel_loop3A_173 = tpu.vector_load %arg10[%parallel_loop3A_171, %parallel_loop3A_172] {strides = array<i32>} : memref<4x2048xi32, #tpu.memory_space<vmem>>, vector<16xi32>,
        %parallel_loop3A_174 = tpu.vector_load_idx %arg8[%broadcast_in_dim3A_144, %parallel_loop3A_173] : memref<4x8192xf32, #tpu.memory_space<vmem>>[vector<16xi32>, vector<16xi32>], vector<16xf32>,
        %parallel_loop3A_175 = arith.constant 2 : i32
        %parallel_loop3A_176 = arith.index_cast %parallel_loop3A_175 : i32 to index
        %parallel_loop3A_177 = arith.index_cast %parallel_loop3A_169 : i32 to index
        %parallel_loop3A_178 = tpu.vector_load %arg14[%parallel_loop3A_176, %parallel_loop3A_177] {strides = array<i32>} : memref<4x2048xf32, #tpu.memory_space<vmem>>, vector<16xf32>,
        tpu.vector_store %arg14[%parallel_loop3A_176, %parallel_loop3A_177], %parallel_loop3A_174 {strides = array<i32>} : memref<4x2048xf32, #tpu.memory_space<vmem>>, vector<16xf32>,
        %parallel_loop3A_179 = arith.constant 2 : i32
        %parallel_loop3A_180 = arith.index_cast %parallel_loop3A_179 : i32 to index
        %parallel_loop3A_181 = arith.index_cast %parallel_loop3A_169 : i32 to index
        %parallel_loop3A_182 = tpu.vector_load %arg12[%parallel_loop3A_180, %parallel_loop3A_181] {strides = array<i32>} : memref<4x2048xi32, #tpu.memory_space<vmem>>, vector<16xi32>,
        %parallel_loop3A_183 = tpu.vector_load_idx %arg8[%broadcast_in_dim3A_144, %parallel_loop3A_182] : memref<4x8192xf32, #tpu.memory_space<vmem>>[vector<16xi32>, vector<16xi32>], vector<16xf32>,
        %parallel_loop3A_184 = arith.constant 2 : i32
        %parallel_loop3A_185 = arith.index_cast %parallel_loop3A_184 : i32 to index
        %parallel_loop3A_186 = arith.index_cast %parallel_loop3A_169 : i32 to index
        %parallel_loop3A_187 = tpu.vector_load %arg16[%parallel_loop3A_185, %parallel_loop3A_186] {strides = array<i32>} : memref<4x2048xf32, #tpu.memory_space<vmem>>, vector<16xf32>,
        tpu.vector_store %arg16[%parallel_loop3A_185, %parallel_loop3A_186], %parallel_loop3A_183 {strides = array<i32>} : memref<4x2048xf32, #tpu.memory_space<vmem>>, vector<16xf32>,
      } {sc.loop_unroll_factor = 4 : i64, sc.parallel_access}
      %broadcast_in_dim3A_148 = arith.constant 3 : i32
      %broadcast_in_dim3A_149 = vector.broadcast %broadcast_in_dim3A_148 : i32 to vector<16xi32>
      %parallel_loop3A_150 = arith.constant 0 : i32
      %parallel_loop3A_151 = arith.constant 128 : i32
      %parallel_loop3A_152 = arith.constant 1 : i32
      scf.for %parallel_loop3A_167 = %parallel_loop3A_150 to %parallel_loop3A_151 step %parallel_loop3A_152  : i32 {
        %parallel_loop3A_168 = arith.constant 16 : i32
        %parallel_loop3A_169 = arith.muli %parallel_loop3A_167, %parallel_loop3A_168 : i32
        %parallel_loop3A_170 = arith.constant 3 : i32
        %parallel_loop3A_171 = arith.index_cast %parallel_loop3A_170 : i32 to index
        %parallel_loop3A_172 = arith.index_cast %parallel_loop3A_169 : i32 to index
        %parallel_loop3A_173 = tpu.vector_load %arg10[%parallel_loop3A_171, %parallel_loop3A_172] {strides = array<i32>} : memref<4x2048xi32, #tpu.memory_space<vmem>>, vector<16xi32>,
        %parallel_loop3A_174 = tpu.vector_load_idx %arg8[%broadcast_in_dim3A_149, %parallel_loop3A_173] : memref<4x8192xf32, #tpu.memory_space<vmem>>[vector<16xi32>, vector<16xi32>], vector<16xf32>,
        %parallel_loop3A_175 = arith.constant 3 : i32
        %parallel_loop3A_176 = arith.index_cast %parallel_loop3A_175 : i32 to index
        %parallel_loop3A_177 = arith.index_cast %parallel_loop3A_169 : i32 to index
        %parallel_loop3A_178 = tpu.vector_load %arg14[%parallel_loop3A_176, %parallel_loop3A_177] {strides = array<i32>} : memref<4x2048xf32, #tpu.memory_space<vmem>>, vector<16xf32>,
        tpu.vector_store %arg14[%parallel_loop3A_176, %parallel_loop3A_177], %parallel_loop3A_174 {strides = array<i32>} : memref<4x2048xf32, #tpu.memory_space<vmem>>, vector<16xf32>,
        %parallel_loop3A_179 = arith.constant 3 : i32
        %parallel_loop3A_180 = arith.index_cast %parallel_loop3A_179 : i32 to index
        %parallel_loop3A_181 = arith.index_cast %parallel_loop3A_169 : i32 to index
        %parallel_loop3A_182 = tpu.vector_load %arg12[%parallel_loop3A_180, %parallel_loop3A_181] {strides = array<i32>} : memref<4x2048xi32, #tpu.memory_space<vmem>>, vector<16xi32>,
        %parallel_loop3A_183 = tpu.vector_load_idx %arg8[%broadcast_in_dim3A_149, %parallel_loop3A_182] : memref<4x8192xf32, #tpu.memory_space<vmem>>[vector<16xi32>, vector<16xi32>], vector<16xf32>,
        %parallel_loop3A_184 = arith.constant 3 : i32
        %parallel_loop3A_185 = arith.index_cast %parallel_loop3A_184 : i32 to index
        %parallel_loop3A_186 = arith.index_cast %parallel_loop3A_169 : i32 to index
        %parallel_loop3A_187 = tpu.vector_load %arg16[%parallel_loop3A_185, %parallel_loop3A_186] {strides = array<i32>} : memref<4x2048xf32, #tpu.memory_space<vmem>>, vector<16xf32>,
        tpu.vector_store %arg16[%parallel_loop3A_185, %parallel_loop3A_186], %parallel_loop3A_183 {strides = array<i32>} : memref<4x2048xf32, #tpu.memory_space<vmem>>, vector<16xf32>,
      } {sc.loop_unroll_factor = 4 : i64, sc.parallel_access}
      %mul3A_153 = arith.constant 4 : i32
      %mul3A_154 = arith.muli %add3A_105, %mul3A_153 : i32
      %add3A_155 = arith.addi %mul3A_2, %mul3A_154 : i32
      %dma_start3A_156 = arith.constant 0 : i32
      %dma_start3A_157 = tpu.memref_slice %arg6[%add3A_155, %dma_start3A_156] : memref<4096x2048xf32, #tpu.memory_space<hbm>> -> memref<4x2048xf32, #tpu.memory_space<hbm>>
      %dma_start3A_158 = arith.constant 0 : i32
      %dma_start3A_159 = tpu.memref_slice %arg6[%add3A_155, %dma_start3A_158] : memref<4096x2048xf32, #tpu.memory_space<hbm>> -> memref<4x2048xf32, #tpu.memory_space<hbm>>
      tpu.enqueue_dma source(%arg16 : memref<4x2048xf32, #tpu.memory_space<vmem>>) target(%dma_start3A_159 : memref<4x2048xf32, #tpu.memory_space<hbm>>) target_semaphore(%arg22 : memref<!tpu.dma_semaphore, #tpu.memory_space<semaphore_mem>>)
      %mul3A_160 = arith.constant 4 : i32
      %mul3A_161 = arith.muli %add3A_105, %mul3A_160 : i32
      %add3A_162 = arith.addi %mul3A_2, %mul3A_161 : i32
      %dma_start3A_163 = arith.constant 0 : i32
      %dma_start3A_164 = tpu.memref_slice %arg5[%add3A_162, %dma_start3A_163] : memref<4096x2048xf32, #tpu.memory_space<hbm>> -> memref<4x2048xf32, #tpu.memory_space<hbm>>
      %dma_start3A_165 = arith.constant 0 : i32
      %dma_start3A_166 = tpu.memref_slice %arg5[%add3A_162, %dma_start3A_165] : memref<4096x2048xf32, #tpu.memory_space<hbm>> -> memref<4x2048xf32, #tpu.memory_space<hbm>>
      tpu.enqueue_dma source(%arg14 : memref<4x2048xf32, #tpu.memory_space<vmem>>) target(%dma_start3A_166 : memref<4x2048xf32, #tpu.memory_space<hbm>>) target_semaphore(%arg20 : memref<!tpu.dma_semaphore, #tpu.memory_space<semaphore_mem>>)
    }
    %scan3A_20 = arith.constant 16 : i32
    %add3A_21 = arith.constant 120 : i32
    %add3A_22 = arith.addi %mul3A_2, %add3A_21 : i32
    %dma_wait3A = arith.constant 0 : i32
    %dma_wait3A_23 = tpu.memref_slice %arg5[%add3A_22, %dma_wait3A] : memref<4096x2048xf32, #tpu.memory_space<hbm>> -> memref<4x2048xf32, #tpu.memory_space<hbm>>
    %dma_wait3A_24 = arith.constant 0 : i32
    %dma_wait3A_25 = tpu.memref_slice %arg5[%add3A_22, %dma_wait3A_24] : memref<4096x2048xf32, #tpu.memory_space<hbm>> -> memref<4x2048xf32, #tpu.memory_space<hbm>>
    tpu.wait_dma2 semaphore(%arg19 : memref<!tpu.dma_semaphore, #tpu.memory_space<semaphore_mem>>) src(%arg13 : memref<4x2048xf32, #tpu.memory_space<vmem>>) dst(%dma_wait3A_25 : memref<4x2048xf32, #tpu.memory_space<hbm>>)
    %add3A_26 = arith.constant 124 : i32
    %add3A_27 = arith.addi %mul3A_2, %add3A_26 : i32
    %dma_wait3A_28 = arith.constant 0 : i32
    %dma_wait3A_29 = tpu.memref_slice %arg5[%add3A_27, %dma_wait3A_28] : memref<4096x2048xf32, #tpu.memory_space<hbm>> -> memref<4x2048xf32, #tpu.memory_space<hbm>>
    %dma_wait3A_30 = arith.constant 0 : i32
    %dma_wait3A_31 = tpu.memref_slice %arg5[%add3A_27, %dma_wait3A_30] : memref<4096x2048xf32, #tpu.memory_space<hbm>> -> memref<4x2048xf32, #tpu.memory_space<hbm>>
    tpu.wait_dma2 semaphore(%arg20 : memref<!tpu.dma_semaphore, #tpu.memory_space<semaphore_mem>>) src(%arg14 : memref<4x2048xf32, #tpu.memory_space<vmem>>) dst(%dma_wait3A_31 : memref<4x2048xf32, #tpu.memory_space<hbm>>)
    %add3A_32 = arith.constant 120 : i32
    %add3A_33 = arith.addi %mul3A_2, %add3A_32 : i32
    %dma_wait3A_34 = arith.constant 0 : i32
    %dma_wait3A_35 = tpu.memref_slice %arg6[%add3A_33, %dma_wait3A_34] : memref<4096x2048xf32, #tpu.memory_space<hbm>> -> memref<4x2048xf32, #tpu.memory_space<hbm>>
    %dma_wait3A_36 = arith.constant 0 : i32
    %dma_wait3A_37 = tpu.memref_slice %arg6[%add3A_33, %dma_wait3A_36] : memref<4096x2048xf32, #tpu.memory_space<hbm>> -> memref<4x2048xf32, #tpu.memory_space<hbm>>
    tpu.wait_dma2 semaphore(%arg21 : memref<!tpu.dma_semaphore, #tpu.memory_space<semaphore_mem>>) src(%arg15 : memref<4x2048xf32, #tpu.memory_space<vmem>>) dst(%dma_wait3A_37 : memref<4x2048xf32, #tpu.memory_space<hbm>>)
    %add3A_38 = arith.constant 124 : i32
    %add3A_39 = arith.addi %mul3A_2, %add3A_38 : i32
    %dma_wait3A_40 = arith.constant 0 : i32
    %dma_wait3A_41 = tpu.memref_slice %arg6[%add3A_39, %dma_wait3A_40] : memref<4096x2048xf32, #tpu.memory_space<hbm>> -> memref<4x2048xf32, #tpu.memory_space<hbm>>
    %dma_wait3A_42 = arith.constant 0 : i32
    %dma_wait3A_43 = tpu.memref_slice %arg6[%add3A_39, %dma_wait3A_42] : memref<4096x2048xf32, #tpu.memory_space<hbm>> -> memref<4x2048xf32, #tpu.memory_space<hbm>>
    tpu.wait_dma2 semaphore(%arg22 : memref<!tpu.dma_semaphore, #tpu.memory_space<semaphore_mem>>) src(%arg16 : memref<4x2048xf32, #tpu.memory_space<vmem>>) dst(%dma_wait3A_43 : memref<4x2048xf32, #tpu.memory_space<hbm>>)
    return
  }
}

</mosaic_0001>

<sc_bundles>
// kernel: kernel.3.cloned.1.call-start
scs
__scs_entry_jumppad:
0x0: {  	(pc) =	sbr.rel $0x88, $3  }
0x1: {  	(tag) =	ssettag $0x0;
	lr =	simm.s32 $0x1  }
0x2: {  	[smem:$0x3F9E] =	sst lr;
	_ =	strace $0xD0000000  }
0x3: {  	_ = 	snop  }
0x4: {  	_ = 	snop  }
0x5: {  	_ = 	snop  }
0x6: {  	_ = 	snop  }
0x7: {  	_ = 	snop  }
__scs_overlays_trampoline_lowered:
0x8: {  	[smem:$0x3FAD] =	sst s0  }
0x9: {  	[smem:$0x3FAE] =	sst s1  }
0xa: {  	[smem:$0x3FAF] =	sst s2  }
0xb: {  	[smem:$0x3FB0] =	sst s3  }
0xc: {  	[smem:$0x3FB1] =	sst s4  }
0xd: {  	[smem:$0x3FB2] =	sst s5  }
0xe: {  	[smem:$0x3FB3] =	sst s6  }
0xf: {  	[smem:$0x3FB4] =	sst s7  }
0x10: {  	[smem:$0x3FB5] =	sst s8  }
0x11: {  	[smem:$0x3FB6] =	sst s9;
	s0 =	simm.s32 @!p0 $0x0  }
0x12: {  	s1 =	sld [smem:$0x3F9C];
	s0 =	simm.s32 @p0 $0x1  }
0x13: {  	[smem:$0x3FB7] =	sst s0;
	s0 =	simm.s32 @!p1 $0x0  }
0x14: {  	s2 =	sld [smem:$0x3F9B];
	s0 =	simm.s32 @p1 $0x1  }
0x15: {  	[smem:$0x3FB8] =	sst s0;
	s0 =	simm.s32 @!p2 $0x0  }
0x16: {  	s3 =	sld [smem:$0x3FDB];
	s0 =	simm.s32 @p2 $0x1  }
0x17: {  	s4 =	simm.s32 $0x1BF5;
	[smem:$0x3FBA] =	sst s0  }
0x18: {  	s0 =	sld [smem:$0x3F9D];
	_ =	swait.ge [sflag:s4], $0x0  }
0x19: {  	s7 =	sld [smem:$0x3F9E]  }
0x1a: {  	s8 =	sadd.s32 $0xFFFFE003, lr  }
0x1b: {  	s9 =	sadd.s32 $0xFFFFFEF7, lr;
	s5 =	simm.s32 $0xFFFFFFFF;
	p2 =	slt.u32 s8, $0xFFFFF086  }
0x1c: {  	p1 =	slt.u32 s9, $0xF7A;
	s5 =	simm.s32 @!p2 $0x0  }
0x1d: {  	s5 =	simm.s32 @p1 $0x1;
	p0 =	seq.s32 s7, s2  }
0x1e: {  	s7 =	smul.u32 @!p0 $0xF7A, s2;
	p2 =	seq.s32 @!p0 s5, $0x0  }
0x1f: {  	s9 =	smul.u32 $0xF7A, s1;
	s8 =	simm.s32 @!p0 $0x1BF5;
	p2 =	por !p2, p0  }
0x20: {  	[sflag:s8] =	ssyncset.s32 @!p0 $0xFFFFF086;
	s6 =	sadd.s32 @!p0 s3, s7;
	s7 =	simm.s32 @!p0 $0x108  }
0x21: {  	s3 =	sadd.s32 s3, s9;
	s6 =	sadd.s32 @!p0 $0x88, s6;
	s7 =	simm.s32 @p2 $0x1082  }
0x22: {  	[simem:s7], [sflag:s8] =	dma.local @!p0 [hbm:s6], $0xF7A  }
0x23: {  	s9 =	sor.u32 $0xD0000000, s2;
	s6 =	simm.s32 $0x108;
	_ =	swait.ge @!p0 [sflag:s8], $0x0  }
0x24: {  	s3 =	sadd.s32 $0x88, s3;
	s6 =	simm.s32 @!p1 $0x1082;
	[sflag:s4] =	ssyncset.s32 $0xFFFFF086  }
0x25: {  	[simem:s6], [sflag:s4] =	dma.local [hbm:s3], $0xF7A  }
0x26: {  	[smem:$0x3F9E] =	sst s1;
	(tag) =	ssettag s2;
	_ =	strace s9  }
0x27: {  	s1 =	sld [smem:$0x3FAE]  }
0x28: {  	s2 =	sld [smem:$0x3FAF]  }
0x29: {  	s4 =	sld [smem:$0x3FB1]  }
0x2a: {  	p0 =	seq.s32 s5, $0x0;
	s5 =	sld [smem:$0x3FB2]  }
0x2b: {  	s6 =	sld [smem:$0x3FB3]  }
0x2c: {  	s7 =	sld [smem:$0x3FB4]  }
0x2d: {  	s3 =	simm.s32 $0x108;
	s8 =	sld [smem:$0x3FB5]  }
0x2e: {  	s3 =	simm.s32 @!p0 $0x1082;
	s9 =	sld [smem:$0x3FB6]  }
0x2f: {  	lr =	sadd.s32 s0, s3;
	s0 =	sld [smem:$0x3FAD]  }
0x30: {  	s3 =	sld [smem:$0x3FB0]  }
0x31: {  	[smem:$0x3FB9] =	sst s10  }
0x32: {  	s10 =	sld [smem:$0x3FB7];
	_ =	sdelay $0x3  }
0x33: {  	p0 =	seq.s32 s10, $0x1;
	s10 =	sld [smem:$0x3FB9];
	_ =	sdelay $0x3  }
0x34: {  	[smem:$0x3FB9] =	sst s10  }
0x35: {  	s10 =	sld [smem:$0x3FB8];
	_ =	sdelay $0x3  }
0x36: {  	p1 =	seq.s32 s10, $0x1;
	s10 =	sld [smem:$0x3FB9];
	_ =	sdelay $0x3  }
0x37: {  	[smem:$0x3FB9] =	sst s10  }
0x38: {  	s10 =	sld [smem:$0x3FBA]  }
0x39: {  	_ = 	snop;
	(pc) =	sbr.ind lr, $3  }
0x3a: {  	_ = 	snop  }
0x3b: {  	_ = 	snop  }
0x3c: {  	p2 =	seq.s32 s10, $0x1;
	s10 =	sld [smem:$0x3FB9]  }
0x3d: {  	_ =	shalt  }
0x3e: {  	_ =	shalt  }
0x3f: {  	_ =	shalt  }
0x40: {  	_ =	shalt  }
0x41: {  	_ =	shalt  }
0x42: {  	_ =	shalt  }
0x43: {  	_ =	shalt  }
0x44: {  	_ =	shalt  }
0x45: {  	_ =	shalt  }
0x46: {  	_ =	shalt  }
0x47: {  	_ =	shalt  }
0x48: {  	_ =	shalt  }
0x49: {  	_ =	shalt  }
0x4a: {  	_ =	shalt  }
0x4b: {  	_ =	shalt  }
0x4c: {  	_ =	shalt  }
0x4d: {  	_ =	shalt  }
0x4e: {  	_ =	shalt  }
0x4f: {  	_ =	shalt  }
0x50: {  	_ =	shalt  }
0x51: {  	_ =	shalt  }
0x52: {  	_ =	shalt  }
0x53: {  	_ =	shalt  }
0x54: {  	_ =	shalt  }
0x55: {  	_ =	shalt  }
0x56: {  	_ =	shalt  }
0x57: {  	_ =	shalt  }
0x58: {  	_ =	shalt  }
0x59: {  	_ =	shalt  }
0x5a: {  	_ =	shalt  }
0x5b: {  	_ =	shalt  }
0x5c: {  	_ =	shalt  }
0x5d: {  	_ =	shalt  }
0x5e: {  	_ =	shalt  }
0x5f: {  	_ =	shalt  }
0x60: {  	_ =	shalt  }
0x61: {  	_ =	shalt  }
0x62: {  	_ =	shalt  }
0x63: {  	_ =	shalt  }
0x64: {  	_ =	shalt  }
0x65: {  	_ =	shalt  }
0x66: {  	_ =	shalt  }
0x67: {  	_ =	shalt  }
0x68: {  	_ =	shalt  }
0x69: {  	_ =	shalt  }
0x6a: {  	_ =	shalt  }
0x6b: {  	_ =	shalt  }
0x6c: {  	_ =	shalt  }
0x6d: {  	_ =	shalt  }
0x6e: {  	_ =	shalt  }
0x6f: {  	_ =	shalt  }
0x70: {  	_ =	shalt  }
0x71: {  	_ =	shalt  }
0x72: {  	_ =	shalt  }
0x73: {  	_ =	shalt  }
0x74: {  	_ =	shalt  }
0x75: {  	_ =	shalt  }
0x76: {  	_ =	shalt  }
0x77: {  	_ =	shalt  }
0x78: {  	_ =	shalt  }
0x79: {  	_ =	shalt  }
0x7a: {  	_ =	shalt  }
0x7b: {  	_ =	shalt  }
0x7c: {  	_ =	shalt  }
0x7d: {  	_ =	shalt  }
0x7e: {  	_ =	shalt  }
0x7f: {  	_ =	shalt  }
0x80: {  	_ =	shalt  }
0x81: {  	_ =	shalt  }
0x82: {  	_ =	shalt  }
0x83: {  	_ =	shalt  }
0x84: {  	_ =	shalt  }
0x85: {  	_ =	shalt  }
0x86: {  	_ =	shalt  }
0x87: {  	_ =	shalt  }
.Lfunc_end0:
.L_simem_size_0:
called_computation_lowered:
.L_overlay_start_0:
0x88: {  	s2 =	sld [smem:$0x3FD9]  }
0x89: {  	s3 =	sld [smem:$0x3FFE];
	_ =	sdelay $0x1  }
0x8a: {  	s1 =	srdreg.scid  }
0x8b: {  	s0 =	sand.u32 $0x1, s1  }
0x8c: {  	s15 =	sshll.u32 s0, $0xA;
	s2 =	sadd.s32 s3, s2  }
0x8d: {  	s2 =	sadd.s32 s2, s15  }
0x8e: {  	[smem:$0x3FC5] =	sst s2  }
0x8f: {  	_ = 	snop  }
0x90: {  	s2 =	sld [smem:$0x3FD0]  }
0x91: {  	s16 =	sld [smem:$0x3FC9]  }
0x92: {  	s4 =	sld [smem:$0x3FC8]  }
0x93: {  	s6 =	simm.s32 $0xA;
	s7 =	simm.s32 $0x10;
	s5 =	sld [smem:$0x3FC7]  }
0x94: {  	[smem:s7], [sflag:s6] =	dma.local [hbm:s2], $0x1  }
0x95: {  	_ =	swait.eq [sflag:s6], $0x1  }
0x96: {  	[sflag:s6] =	ssyncset.done $0x0  }
0x97: {  	s17 =	sld [smem:$0x10];
	[sflag:s6] =	ssyncadd.s32 $0xFFFFFFFF  }
0x98: {  	s18 =	sld [smem:$0x11];
	(tm) =	ssettm $0x1  }
0x99: {  	s19 =	sld [smem:$0x3FFB];
	_ =	sdelay $0x3  }
0x9a: {  	_ =	strace s19  }
0x9b: {  	s7 =	sld [smem:$0x3FFC];
	_ =	sdelay $0x3  }
0x9c: {  	_ =	strace s7  }
0x9d: {  	s7 =	sld [smem:$0x3FFD];
	_ =	sdelay $0x3  }
0x9e: {  	_ =	strace s7  }
0x9f: {  	_ =	strace $0x8FFFFFFF  }
0xa0: {  	s20 =	sld [smem:$0x3FDB];
	_ =	sdelay $0x1  }
0xa1: {  	s8 =	simm.s32 $_scs_section_size  }
0xa2: {  	s9 =	simm.s32 $_size__tile_overlayer_lowered;
	s10 =	simm.s32 $_tile_overlayer_lowered  }
0xa3: {  	s23 =	simm.s32 $0x1BFF;
	s22 =	sshll.u32 s10, $0x1;
	s7 =	sadd.s32 s8, s20  }
0xa4: {  	s11 =	simm.s32 $0x0;
	s21 =	sshll.u32 s9, $0x1;
	s9 =	sadd.s32 s22, s7  }
0xa5: {  	[timem:s11], [sflag:s23] =	dma.local [hbm:s9], s21  }
0xa6: {  	_ =	swait.ge [sflag:s23], s21  }
0xa7: {  	s8 =	ssub.s32 $0x0, s21;
	[sflag:s23] =	ssyncset.done $0x0  }
0xa8: {  	[sflag:s23] =	ssyncadd.s32 s8;
	_ =	sdelay $0x1  }
0xa9: {  	s24 =	simm.s32 $0x1B8B  }
0xaa: {  	_ =	swait.ge [sflag:s24], $0x1  }
0xab: {  	[sflag:s24] =	ssyncset.done $0x0  }
0xac: {  	s25 =	simm.s32 $0x1B8E;
	[sflag:s24] =	ssyncadd.s32 $0xFFFFFFFF  }
0xad: {  	s26 =	simm.s32 $execute0_lowered;
	[smem:$0x3FD2] =	sst s25  }
0xae: {  	s8 =	sshll.u32 s26, $0x1;
	_ =	strace $0x80000046;
	[dreg:$0x1] =	wrdreg $0xFFFFFFFF  }
0xaf: {  	s28 =	simm.s32 $_size_execute0_lowered;
	s7 =	sadd.s32 s7, s8;
	[dreg:$0x0] =	wrdreg $0x0  }
0xb0: {  	s8 =	sshll.u32 s28, $0x1;
	[dreg:$0x2] =	wrdreg s7  }
0xb1: {  	[dreg:$0x3] =	wrdreg s8  }
0xb2: {  	[dreg:$0x4] =	wrdreg $0xC0  }
0xb3: {  	_ =	task [dreg:s11], $0x5FFFF  }
0xb4: {  	[dreg:$0x1] =	wrdreg $0xFFFFFFFF  }
0xb5: {  	[dreg:$0x0] =	wrdreg $0x60  }
0xb6: {  	[dreg:$0x2] =	wrdreg s16  }
0xb7: {  	[dreg:$0x3] =	wrdreg s4  }
0xb8: {  	[dreg:$0x4] =	wrdreg s5  }
0xb9: {  	[dreg:$0x5] =	wrdreg s17  }
0xba: {  	[dreg:$0x6] =	wrdreg s18  }
0xbb: {  	[dreg:$0x7] =	wrdreg $0x9  }
0xbc: {  	_ =	task.clear_ibuf [dreg:s11], $0x8FFFF;
	_ =	strace $0x90000046  }
0xbd: {  	s29 =	simm.s32 $0x9;
	_ =	strace $0x80000048  }
0xbe: {  	_ =	swait.ge [sflag:s29], $0x1  }
0xbf: {  	[sflag:s29] =	ssyncadd.s32 $0xFFFFFFFF  }
0xc0: {  	_ =	strace $0x90000048  }
0xc1: {  	_ =	sfence  }
0xc2: {  	s30 =	sld [smem:$0x0];
	_ =	sdelay $0x2  }
0xc3: {  	s31 =	sshll.u32 s1, $0xD;
	s1 =	sshrl.u32 s1, $0x2  }
0xc4: {  	s3 =	sand.u32 $0x4000, s31;
	s1 =	sadd.s32 s1, s30  }
0xc5: {  	s0 =	sor.u32 s3, s0;
	s1 =	sshll.u32 s1, $0x11  }
0xc6: {  	s0 =	sor.u32 s1, s0  }
0xc7: {  	s0 =	sadd.s32 $0x8F2B, s0  }
0xc8: {  	[sflag:s0] =	ssyncadd.remote.s32 $0x1  }
0xc9: {  	_ =	sfence.sel $0xFFFF  }
0xca: {  	[dreg:$0x0] =	wrdreg $0xFFFFFFFF;
	(pc) =	sbr.abs _section_cstart, $3  }
0xcb: {  	[dreg:$0x1] =	wrdreg $0xFFFFFFFF  }
0xcc: {  	_ =	task.clear_ibuf [dreg:s11], $0x2FFFF;
	_ =	strace $0x9FFFFFFF  }
0xcd: {  	(tm) =	ssettm $0x7FFFFFFF  }
tec
execute0_lowered:
.L_overlay_start_1:
0x0: {  	(tag) =	ssettag $0x1  }
0x1: {  	s5 =	rddreg [dreg:$0x0]  }
0x2: {  	s31 =	rddreg [dreg:$0x1]  }
0x3: {  	s6 =	rddreg [dreg:$0x2]  }
0x4: {  	s11 =	rddreg [dreg:$0x3]  }
0x5: {  	s13 =	rddreg [dreg:$0x4]  }
0x6: {  	s0 =	srdreg.scid;
	s7 =	simm.s32 $0x0;
	s1 =	stileid.u32  }
0x7: {  	s16 =	simm.s32 $0x200;
	s17 =	simm.s32 $0x400;
	s20 =	simm.s32 $0x8000  }
0x8: {  	s0 =	sand.u32 $0x1, s0;
	[smem:$0x7FF] =	sst s7;
	s1 =	sshll.u32 s1, $0x8  }
0x9: {  	s29 =	sadd.s32 $0x40, s5;
	s2 =	sshll.u32 s0, $0x7;
	_ =	strace $0x80000047  }
0xa: {  	s0 =	ssub.s32 $0x2, s0;
	[dreg:$0xa] =	wrdreg s29;
	s1 =	sor.u32 s2, s1  }
0xb: {  	s23 =	sshrl.u32 s0, $0x1;
	s3 =	sshll.u32 s1, $0xA;
	s28 =	sshrl.u32 s1, $0x3  }
0xc: {  	s4 =	sshll.u32 s1, $0x8;
	s24 =	sadd.s32 s5, s3;
	[dreg:$0x9] =	wrdreg s28  }
.Ltmp0:
0xd: {  	s25 =	sadd.s32 s31, s4;
	[dreg:$0x6] =	wrdreg s24;
	(pc) =	sbr.rel .LBB2_1-.Ltmp0, $4  }
0xe: {  	s2 =	simm.s32 $0x0;
	s26 =	sadd.s32 s6, s4;
	[dreg:$0x7] =	wrdreg s25  }
0xf: {  	s0 =	ssub.s32 s0, s23;
	s30 =	sor.u32 $0x40, s4;
	[dreg:$0x8] =	wrdreg s26  }
0x10: {  	s14 =	sor.u32 $0x8, s1;
	s0 =	smax.u32 s0, $0x1;
	[dreg:$0xb] =	wrdreg s30  }
0x11: {  	s23 =	simm.s32 $0x1;
	[dreg:$0xc] =	wrdreg s0;
	s26 =	simm.s32 $0x2  }
.LBB2_43:
0x12: {  	s0 =	simm.s32 $0x3  }
0x13: {  	_ =	swait.ge [sflag:s0], $0x2000  }
0x14: {  	[sflag:s0] =	ssyncset.done $0x0  }
0x15: {  	s28 =	simm.s32 $0x4;
	[sflag:s0] =	ssyncadd.s32 $0xFFFFE000  }
0x16: {  	_ =	swait.ge [sflag:s28], $0x2000  }
0x17: {  	[sflag:s28] =	ssyncset.done $0x0  }
0x18: {  	s29 =	simm.s32 $0x5;
	[sflag:s28] =	ssyncadd.s32 $0xFFFFE000  }
0x19: {  	_ =	swait.ge [sflag:s29], $0x2000  }
0x1a: {  	[sflag:s29] =	ssyncset.done $0x0  }
0x1b: {  	s1 =	simm.s32 $0x6;
	[sflag:s29] =	ssyncadd.s32 $0xFFFFE000  }
0x1c: {  	_ =	swait.ge [sflag:s1], $0x2000  }
0x1d: {  	s2 =	rddreg [dreg:$0xd]  }
0x1e: {  	s30 =	rddreg [dreg:$0xc];
	s2 =	sadd.s32 $0x1, s2  }
0x1f: {  	p0 =	sne.s32 s2, s30  }
.Ltmp1:
0x20: {  	_ = 	snop;
	(pc) =	sbr.rel @!p0 .LBB2_44-.Ltmp1, $3  }
0x21: {  	_ =	sdelay $0x1  }
0x22: {  	[sflag:s1] =	ssyncset.done $0x0  }
0x23: {  	[sflag:s1] =	ssyncadd.s32 $0xFFFFE000  }
.LBB2_1:
0x24: {  	[dreg:$0xd] =	wrdreg s2  }
0x25: {  	s0 =	rddreg [dreg:$0x6]  }
0x26: {  	[tilespmem:s7], [sflag:$0x1] =	stream.strided.gather [hbm4b:s0+s16], $0x8000, s17, s16, $0x38;
	v63 =	vld [tilespmem:$0x0]  }
0x27: {  	s28 =	rddreg [dreg:$0x7];
	s1 =	simm.s32 $0x10000  }
0x28: {  	[tilespmem:s1], [sflag:$0x1] =	stream.strided.gather [hbm4b:s28+s16], $0x2000, s17, s16, $0x38;
	v63 =	vld [tilespmem:$0x0]  }
0x29: {  	s29 =	rddreg [dreg:$0x8];
	s30 =	simm.s32 $0x14000;
	s19 =	simm.s32 $0x0  }
0x2a: {  	[tilespmem:s30], [sflag:$0x1] =	stream.strided.gather [hbm4b:s29+s16], $0x2000, s17, s16, $0x38;
	v63 =	vld [tilespmem:$0x0]  }
.LBB2_2:
0x2b: {  	s0 =	rddreg [dreg:$0x9]  }
0x2c: {  	s0 =	sor.u32 s0, s19  }
0x2d: {  	s2 =	rddreg [dreg:$0xa];
	s1 =	sshll.u32 s0, $0xD;
	s8 =	sshll.u32 s0, $0xB  }
0x2e: {  	s1 =	sadd.s32 s1, s2;
	s0 =	sor.u32 $0x40, s8  }
0x2f: {  	[tilespmem:s20], [sflag:$0x2] =	stream.strided.gather [hbm4b:s1+s16], $0x8000, s17, s16, $0x38;
	v63 =	vld [tilespmem:$0x0]  }
0x30: {  	s18 =	simm.s32 $0x12000;
	s15 =	sadd.s32 s31, s0  }
0x31: {  	[tilespmem:s18], [sflag:$0x2] =	stream.strided.gather [hbm4b:s15+s16], $0x2000, s17, s16, $0x38;
	v63 =	vld [tilespmem:$0x0]  }
0x32: {  	s21 =	simm.s32 $0x16000;
	s0 =	sadd.s32 s6, s0  }
0x33: {  	[tilespmem:s21], [sflag:$0x2] =	stream.strided.gather [hbm4b:s0+s16], $0x2000, s17, s16, $0x38;
	v63 =	vld [tilespmem:$0x0]  }
0x34: {  	_ =	swait.ge [sflag:s23], $0x8000  }
0x35: {  	[sflag:s23] =	ssyncset.done $0x0  }
0x36: {  	[sflag:s23] =	ssyncadd.s32 $0xFFFF8000  }
0x37: {  	_ =	swait.ge [sflag:s23], $0x2000  }
0x38: {  	[sflag:s23] =	ssyncset.done $0x0  }
0x39: {  	[sflag:s23] =	ssyncadd.s32 $0xFFFFE000  }
0x3a: {  	_ =	swait.ge [sflag:s23], $0x2000  }
0x3b: {  	p0 =	seq.s32 s19, $0x0;
	[sflag:s23] =	ssyncset.done $0x0  }
0x3c: {  	s0 =	simm.s32 @!p0 $0x3;
	[sflag:s23] =	ssyncadd.s32 $0xFFFFE000  }
0x3d: {  	_ =	swait.ge @!p0 [sflag:s0], $0x2000  }
0x3e: {  	[sflag:s0] =	ssyncset.done @!p0 $0x0  }
0x3f: {  	s1 =	simm.s32 @!p0 $0x5;
	[sflag:s0] =	ssyncadd.s32 @!p0 $0xFFFFE000  }
0x40: {  	s0 =	simm.s32 $0x0;
	_ =	swait.ge @!p0 [sflag:s1], $0x2000  }
0x41: {  	s22 =	sand.u32 $0x40, s0;
	s3 =	sand.u32 $0x1E00, s0;
	[sflag:s1] =	ssyncset.done @!p0 $0x0  }
0x42: {  	s10 =	sor.u32 s22, s3;
	[sflag:s1] =	ssyncadd.s32 @!p0 $0xFFFFE000  }
0x43: {  	v0 =	vld [tilespmem:s10+$0x10030];
	_ =	sdelay $0x1  }
0x44: {  	v1 =	vld [tilespmem:s10+$0x10000]  }
0x45: {  	v2 =	vld [tilespmem:s10+$0x10010]  }
0x46: {  	s24 =	simm.s32 $0x100;
	s25 =	simm.s32 $0x40;
	v5 =	vld [tilespmem:s10+$0x14030]  }
0x47: {  	s2 =	sand.u32 $0x40, s25;
	s1 =	sand.u32 $0x1E00, s24;
	v7 =	vld [tilespmem:s10+$0x14010];
	v3 =	vshll.u32 v0, $0x2  }
0x48: {  	v8 =	vld [tilespmem:s10+$0x14020];
	s15 =	sor.u32 s2, s1;
	v0 =	vand.u32 $0x7F, v0;
	v3 =	vand.u32 $0xFFFFFE00, v3  }
0x49: {  	v9 =	vld [tilespmem:s15+$0x10000];
	v0 =	vor.u32 v0, v3  }
0x4a: {  	v12 =	vld [tilespmem:s15+$0x10010];
	v4 =	vshll.u32 v1, $0x2  }
0x4b: {  	v1 =	vand.u32 $0x7F, v1;
	v6 =	vshll.u32 v2, $0x2;
	v4 =	vand.u32 $0xFFFFFE00, v4;
	v3 =	vld [tilespmem:s10+$0x10020]  }
0x4c: {  	v2 =	vand.u32 $0x7F, v2;
	v6 =	vand.u32 $0xFFFFFE00, v6;
	v1 =	vor.u32 v1, v4;
	v4 =	vld [tilespmem:s10+$0x14000]  }
0x4d: {  	v14 =	vld [tilespmem:s15+$0x14030];
	v2 =	vor.u32 v2, v6;
	v6 =	vshll.u32 v5, $0x2  }
0x4e: {  	s28 =	simm.s32 $0x200;
	s29 =	simm.s32 $0x80;
	v13 =	vshll.u32 v9, $0x2;
	v5 =	vand.u32 $0x7F, v5;
	v6 =	vand.u32 $0xFFFFFE00, v6;
	v0 =	vld.idx.msk [tilespmem:v0+s0+$0x0], $0xffff  }
0x4f: {  	s2 =	sand.u32 $0x40, s29;
	s1 =	sand.u32 $0x1E00, s28;
	v9 =	vand.u32 $0x7F, v9;
	v13 =	vand.u32 $0xFFFFFE00, v13;
	v5 =	vor.u32 v5, v6;
	v6 =	vld [tilespmem:s15+$0x10030]  }
0x50: {  	v15 =	vld [tilespmem:s15+$0x14010];
	s30 =	sor.u32 s2, s1;
	v9 =	vor.u32 v9, v13  }
0x51: {  	v21 =	vld [tilespmem:s30+$0x14030];
	v10 =	vshll.u32 v3, $0x2;
	v11 =	vshll.u32 v4, $0x2;
	v3 =	vand.u32 $0x7F, v3  }
0x52: {  	v13 =	vld [tilespmem:s30+$0x10000];
	v4 =	vand.u32 $0x7F, v4;
	v10 =	vand.u32 $0xFFFFFE00, v10;
	v11 =	vand.u32 $0xFFFFFE00, v11  }
0x53: {  	v1 =	vld.idx.msk [tilespmem:v1+s0+$0x0], $0xffff;
	v3 =	vor.u32 v3, v10;
	v4 =	vor.u32 v4, v11;
	[tilespmem:s10+$0x18030] =	vst v0;
	v0 =	vshll.u32 v7, $0x2  }
0x54: {  	v2 =	vld.idx.msk [tilespmem:v2+s0+$0x0], $0xffff;
	v11 =	vshll.u32 v6, $0x2;
	v7 =	vand.u32 $0x7F, v7;
	v0 =	vand.u32 $0xFFFFFE00, v0  }
0x55: {  	v9 =	vld.idx.msk [tilespmem:v9+s0+$0x0], $0xffff;
	v6 =	vand.u32 $0x7F, v6;
	v11 =	vand.u32 $0xFFFFFE00, v11;
	v0 =	vor.u32 v7, v0  }
0x56: {  	v10 =	vld [tilespmem:s15+$0x10020];
	v6 =	vor.u32 v6, v11  }
0x57: {  	v16 =	vshll.u32 v12, $0x2;
	v7 =	vld [tilespmem:s15+$0x14000]  }
0x58: {  	v11 =	vand.u32 $0x7F, v12;
	v12 =	vand.u32 $0xFFFFFE00, v16;
	[tilespmem:s10+$0x18000] =	vst v1;
	v1 =	vld.idx.msk [tilespmem:v3+s0+$0x0], $0xffff  }
0x59: {  	[tilespmem:s10+$0x18010] =	vst v2;
	v3 =	vor.u32 v11, v12;
	v11 =	vld.idx.msk [tilespmem:v4+s0+$0x0], $0xffff  }
0x5a: {  	v12 =	vld.idx.msk [tilespmem:v0+s0+$0x0], $0xffff;
	v0 =	vshll.u32 v14, $0x2  }
0x5b: {  	v4 =	vand.u32 $0x7F, v14;
	v2 =	vld.idx.msk [tilespmem:v6+s0+$0x0], $0xffff;
	v0 =	vand.u32 $0xFFFFFE00, v0  }
0x5c: {  	v16 =	vld [tilespmem:s15+$0x14020];
	v0 =	vor.u32 v4, v0  }
0x5d: {  	v19 =	vshll.u32 v13, $0x2;
	v5 =	vld.idx.msk [tilespmem:v5+s0+$0x0], $0xffff;
	v6 =	vshll.u32 v8, $0x2;
	v14 =	vshll.u32 v15, $0x2  }
0x5e: {  	v4 =	vand.u32 $0xFFFFFE00, v6;
	v6 =	vand.u32 $0x7F, v8;
	v8 =	vld.idx.msk [tilespmem:v3+s0+$0x0], $0xffff;
	v3 =	vshll.u32 v10, $0x2  }
0x5f: {  	v10 =	vand.u32 $0x7F, v10;
	v17 =	vor.u32 v6, v4;
	v6 =	vld [tilespmem:s30+$0x10030];
	v3 =	vand.u32 $0xFFFFFE00, v3  }
0x60: {  	[tilespmem:s15+$0x18030] =	vst v2;
	v4 =	vshll.u32 v7, $0x2;
	v10 =	vor.u32 v10, v3;
	v3 =	vand.u32 $0x7F, v7;
	v7 =	vld [tilespmem:s30+$0x10010]  }
0x61: {  	v2 =	vand.u32 $0xFFFFFE00, v14;
	v14 =	vshll.u32 v16, $0x2;
	v4 =	vand.u32 $0xFFFFFE00, v4;
	v18 =	vld.idx.msk [tilespmem:v0+s0+$0x0], $0xffff  }
0x62: {  	[tilespmem:s10+$0x1C030] =	vst v5;
	v5 =	vand.u32 $0xFFFFFE00, v19;
	v0 =	vand.u32 $0xFFFFFE00, v14;
	v14 =	vor.u32 v3, v4;
	v4 =	vld [tilespmem:s30+$0x10020]  }
0x63: {  	v15 =	vand.u32 $0x7F, v15;
	[tilespmem:s10+$0x18020] =	vst v1;
	v1 =	vand.u32 $0x7F, v13;
	v3 =	vand.u32 $0x7F, v16;
	v16 =	vld [tilespmem:s30+$0x14000]  }
0x64: {  	v15 =	vor.u32 v15, v2;
	v0 =	vor.u32 v3, v0;
	v3 =	vshll.u32 v6, $0x2  }
0x65: {  	v2 =	vld [tilespmem:s30+$0x14010];
	v6 =	vand.u32 $0x7F, v6;
	v3 =	vand.u32 $0xFFFFFE00, v3;
	v19 =	vshll.u32 v7, $0x2  }
0x66: {  	v20 =	vor.u32 v6, v3;
	v6 =	vand.u32 $0x7F, v7;
	v13 =	vand.u32 $0xFFFFFE00, v19;
	v3 =	vld [tilespmem:s30+$0x14020]  }
0x67: {  	[tilespmem:s15+$0x18000] =	vst v9;
	v7 =	vor.u32 v1, v5;
	v1 =	vand.u32 $0x7F, v4;
	v5 =	vshll.u32 v4, $0x2;
	v4 =	vld.idx.msk [tilespmem:v10+s0+$0x0], $0xffff  }
0x68: {  	[tilespmem:s15+$0x18010] =	vst v8;
	v8 =	vor.u32 v6, v13;
	v9 =	vshll.u32 v16, $0x2;
	v6 =	vld.idx.msk [tilespmem:v14+s0+$0x0], $0xffff;
	v10 =	vshll.u32 v21, $0x2  }
0x69: {  	[tilespmem:s10+$0x1C000] =	vst v11;
	v13 =	vand.u32 $0x7F, v16;
	v5 =	vand.u32 $0xFFFFFE00, v5;
	v16 =	vand.u32 $0xFFFFFE00, v10;
	v10 =	vld.idx.msk [tilespmem:v17+s0+$0x0], $0xffff  }
0x6a: {  	s18 =	simm.s32 $0x8;
	s21 =	simm.s32 $0x300;
	s22 =	simm.s32 $0xC0;
	[tilespmem:s10+$0x1C010] =	vst v12;
	v11 =	vand.u32 $0xFFFFFE00, v9;
	v9 =	vshll.u32 v2, $0x2;
	v1 =	vor.u32 v1, v5;
	v5 =	vld.idx.msk [tilespmem:v15+s0+$0x0], $0xffff  }
0x6b: {  	s9 =	smov.u32 s10;
	s1 =	smov.u32 s15;
	s5 =	smov.u32 s30;
	[tilespmem:s15+$0x1C030] =	vst v18;
	v12 =	vand.u32 $0xFFFFFE00, v9;
	v15 =	vand.u32 $0x7F, v21;
	v9 =	vld.idx.msk [tilespmem:v20+s0+$0x0], $0xffff;
	v14 =	vshll.u32 v3, $0x2  }
.LBB2_3:
0x6c: {  	s2 =	sand.u32 $0x40, s22;
	s3 =	sand.u32 $0x1E00, s21;
	s18 =	sadd.s32 $0x4, s18;
	v7 =	vld.idx.msk [tilespmem:v7+s0+$0x0], $0xffff;
	v2 =	vand.u32 $0x7F, v2;
	v14 =	vand.u32 $0xFFFFFE00, v14;
	v15 =	vor.u32 v15, v16  }
0x6d: {  	v11 =	vor.u32 v13, v11;
	s2 =	sor.u32 s2, s3;
	p1 =	slt.u32 s18, $0x7C;
	v8 =	vld.idx.msk [tilespmem:v8+s0+$0x0], $0xffff;
	v12 =	vor.u32 v2, v12;
	v2 =	vand.u32 $0x7F, v3;
	[tilespmem:s1+$0x18020] =	vst v4  }
0x6e: {  	v3 =	vld [tilespmem:s2+$0x10030];
	v17 =	vor.u32 v2, v14;
	[tilespmem:s1+$0x1C000] =	vst v6  }
0x6f: {  	v4 =	vld [tilespmem:s2+$0x10000];
	[tilespmem:s1+$0x1C010] =	vst v5  }
0x70: {  	v5 =	vld [tilespmem:s2+$0x10010];
	[tilespmem:s5+$0x18030] =	vst v9  }
0x71: {  	v6 =	vld.idx.msk [tilespmem:v15+s0+$0x0], $0xffff;
	[tilespmem:s9+$0x1C020] =	vst v10;
	s9 =	smov.u32 s1;
	s1 =	smov.u32 s5;
	s5 =	smov.u32 s2  }
0x72: {  	v9 =	vld [tilespmem:s5+$0x10020];
	[tilespmem:s1+$0x18000] =	vst v7  }
0x73: {  	v10 =	vld [tilespmem:s5+$0x14000];
	v7 =	vshll.u32 v3, $0x2;
	[tilespmem:s1+$0x18010] =	vst v8  }
0x74: {  	v3 =	vand.u32 $0x7F, v3;
	v8 =	vshll.u32 v4, $0x2;
	v2 =	vld [tilespmem:s5+$0x14010];
	v7 =	vand.u32 $0xFFFFFE00, v7  }
0x75: {  	v8 =	vand.u32 $0xFFFFFE00, v8;
	v13 =	vshll.u32 v5, $0x2;
	v14 =	vor.u32 v3, v7;
	v15 =	vld [tilespmem:s5+$0x14030]  }
0x76: {  	v4 =	vand.u32 $0x7F, v4;
	v5 =	vand.u32 $0x7F, v5;
	v13 =	vand.u32 $0xFFFFFE00, v13;
	v3 =	vld [tilespmem:s5+$0x14020]  }
.Ltmp2:
0x77: {  	v7 =	vor.u32 v4, v8;
	v16 =	vand.u32 $0x7F, v9;
	v9 =	vshll.u32 v9, $0x2;
	v4 =	vld.idx.msk [tilespmem:v1+s0+$0x0], $0xffff;
	[tilespmem:s1+$0x1C030] =	vst v6;
	(pc) =	sbr.rel @p1 .LBB2_3-.Ltmp2, $4  }
0x78: {  	v8 =	vor.u32 v5, v13;
	v1 =	vshll.u32 v10, $0x2;
	v5 =	vand.u32 $0xFFFFFE00, v9;
	v6 =	vld.idx.msk [tilespmem:v11+s0+$0x0], $0xffff  }
0x79: {  	v11 =	vand.u32 $0xFFFFFE00, v1;
	v9 =	vshll.u32 v2, $0x2;
	v1 =	vor.u32 v16, v5;
	v5 =	vld.idx.msk [tilespmem:v12+s0+$0x0], $0xffff  }
0x7a: {  	v13 =	vand.u32 $0x7F, v10;
	v12 =	vand.u32 $0xFFFFFE00, v9;
	v9 =	vld.idx.msk [tilespmem:v14+s0+$0x0], $0xffff;
	v10 =	vshll.u32 v15, $0x2  }
0x7b: {  	s21 =	sadd.s32 $0x100, s21;
	s22 =	sadd.s32 $0x40, s22;
	v15 =	vand.u32 $0x7F, v15;
	v14 =	vshll.u32 v3, $0x2;
	v16 =	vand.u32 $0xFFFFFE00, v10;
	v10 =	vld.idx.msk [tilespmem:v0+s0+$0x0], $0xffff;
	v0 =	vmovc v17  }
0x7c: {  	_ =	sdelay $0x3  }
0x7d: {  	v7 =	vld.idx.msk [tilespmem:v7+s0+$0x0], $0xffff;
	v15 =	vor.u32 v15, v16  }
0x7e: {  	v2 =	vand.u32 $0x7F, v2;
	v11 =	vor.u32 v13, v11;
	v8 =	vld.idx.msk [tilespmem:v8+s0+$0x0], $0xffff;
	[tilespmem:s1+$0x18020] =	vst v4  }
0x7f: {  	v4 =	vand.u32 $0xFFFFFE00, v14;
	v3 =	vand.u32 $0x7F, v3;
	v1 =	vld.idx.msk [tilespmem:v1+s0+$0x0], $0xffff;
	v2 =	vor.u32 v2, v12;
	[tilespmem:s1+$0x1C000] =	vst v6  }
0x80: {  	v3 =	vor.u32 v3, v4;
	[tilespmem:s1+$0x1C010] =	vst v5  }
0x81: {  	v0 =	vld.idx.msk [tilespmem:v0+s0+$0x0], $0xffff;
	[tilespmem:s5+$0x18030] =	vst v9  }
0x82: {  	v4 =	vld.idx.msk [tilespmem:v15+s0+$0x0], $0xffff;
	[tilespmem:s5+$0x18000] =	vst v7  }
0x83: {  	[tilespmem:s5+$0x18010] =	vst v8;
	v6 =	vld.idx.msk [tilespmem:v11+s0+$0x0], $0xffff  }
0x84: {  	[tilespmem:s5+$0x18020] =	vst v1;
	v2 =	vld.idx.msk [tilespmem:v2+s0+$0x0], $0xffff  }
0x85: {  	[tilespmem:s9+$0x1C020] =	vst v10;
	v1 =	vld.idx.msk [tilespmem:v3+s0+$0x0], $0xffff  }
0x86: {  	[tilespmem:s1+$0x1C020] =	vst v0  }
0x87: {  	[tilespmem:s5+$0x1C030] =	vst v4  }
0x88: {  	[tilespmem:s5+$0x1C000] =	vst v6  }
0x89: {  	[tilespmem:s5+$0x1C010] =	vst v2  }
0x8a: {  	[tilespmem:s5+$0x1C020] =	vst v1  }
0x8b: {  	v0 =	vld [tilespmem:s10+$0x100B0]  }
0x8c: {  	v1 =	vld [tilespmem:s10+$0x10080]  }
0x8d: {  	v2 =	vld [tilespmem:s10+$0x10090]  }
0x8e: {  	v3 =	vld [tilespmem:s10+$0x100A0];
	_ =	sdelay $0x2  }
0x8f: {  	v5 =	vld [tilespmem:s10+$0x140B0]  }
0x90: {  	v10 =	vld [tilespmem:s10+$0x140A0];
	v4 =	vshll.u32 v0, $0x2;
	v0 =	vand.u32 $0x7F, v0;
	v6 =	vshll.u32 v1, $0x2  }
0x91: {  	v8 =	vld [tilespmem:s10+$0x14090];
	v7 =	vshll.u32 v2, $0x2;
	v9 =	vshll.u32 v3, $0x2;
	v1 =	vand.u32 $0x7F, v1  }
0x92: {  	v2 =	vand.u32 $0x7F, v2;
	v4 =	vand.u32 $0xFFFFFE00, v4;
	v6 =	vand.u32 $0xFFFFFE00, v6  }
0x93: {  	v17 =	vld [tilespmem:s15+$0x140A0];
	v3 =	vand.u32 $0x7F, v3;
	v0 =	vor.u32 v4, v0;
	v1 =	vor.u32 v6, v1  }
0x94: {  	v20 =	vld [tilespmem:s30+$0x10090];
	v0 =	vor.u32 $0x80, v0;
	v6 =	vor.u32 $0x80, v1;
	v1 =	vshll.u32 v5, $0x2  }
0x95: {  	v11 =	vshll.u32 v10, $0x2;
	v4 =	vld [tilespmem:s10+$0x14080];
	v5 =	vand.u32 $0x7F, v5;
	v1 =	vand.u32 $0xFFFFFE00, v1  }
0x96: {  	v7 =	vand.u32 $0xFFFFFE00, v7;
	v1 =	vor.u32 v1, v5;
	v5 =	vshll.u32 v8, $0x2  }
0x97: {  	v2 =	vor.u32 v7, v2;
	v7 =	vld [tilespmem:s15+$0x100B0];
	v8 =	vand.u32 $0x7F, v8;
	v5 =	vand.u32 $0xFFFFFE00, v5  }
0x98: {  	s9 =	simm.s32 $0x0;
	v10 =	vand.u32 $0x7F, v10;
	v19 =	vshll.u32 v17, $0x2;
	v5 =	vor.u32 v5, v8;
	v8 =	vld [tilespmem:s15+$0x140B0]  }
0x99: {  	v17 =	vand.u32 $0x7F, v17;
	v22 =	vshll.u32 v20, $0x2;
	v9 =	vand.u32 $0xFFFFFE00, v9;
	v0 =	vld.idx.msk [tilespmem:v0+s9+$0x0], $0xffff  }
0x9a: {  	v13 =	vld [tilespmem:s15+$0x10090];
	v11 =	vand.u32 $0xFFFFFE00, v11;
	v3 =	vor.u32 v9, v3;
	v9 =	vshll.u32 v4, $0x2  }
0x9b: {  	v12 =	vld [tilespmem:s15+$0x10080];
	v1 =	vor.u32 $0x80, v1;
	v4 =	vand.u32 $0x7F, v4;
	v9 =	vand.u32 $0xFFFFFE00, v9  }
0x9c: {  	v10 =	vor.u32 v11, v10;
	v2 =	vor.u32 $0x80, v2;
	v4 =	vor.u32 v9, v4;
	v9 =	vld [tilespmem:s15+$0x100A0]  }
0x9d: {  	v3 =	vor.u32 $0x80, v3;
	v14 =	vshll.u32 v7, $0x2;
	v15 =	vor.u32 $0x80, v4  }
0x9e: {  	v18 =	vld.idx.msk [tilespmem:v6+s9+$0x0], $0xffff;
	v6 =	vshll.u32 v8, $0x2;
	[tilespmem:s10+$0x180B0] =	vst v0;
	v0 =	vand.u32 $0x7F, v7;
	v7 =	vand.u32 $0xFFFFFE00, v14  }
0x9f: {  	v23 =	vld [tilespmem:s30+$0x140B0];
	v14 =	vshll.u32 v13, $0x2;
	v13 =	vand.u32 $0x7F, v13;
	v6 =	vand.u32 $0xFFFFFE00, v6  }
0xa0: {  	v4 =	vld.idx.msk [tilespmem:v1+s9+$0x0], $0xffff;
	v1 =	vor.u32 v7, v0;
	v0 =	vor.u32 $0x80, v5;
	v7 =	vshll.u32 v12, $0x2  }
0xa1: {  	v5 =	vld [tilespmem:s15+$0x14080];
	v16 =	vshll.u32 v9, $0x2;
	v12 =	vand.u32 $0x7F, v12;
	v11 =	vor.u32 $0x80, v1  }
0xa2: {  	v9 =	vand.u32 $0x7F, v9;
	v1 =	vor.u32 $0x80, v10;
	v10 =	vld [tilespmem:s15+$0x14090];
	v7 =	vand.u32 $0xFFFFFE00, v7  }
0xa3: {  	v16 =	vand.u32 $0xFFFFFE00, v16;
	v7 =	vor.u32 v7, v12;
	v12 =	vld.idx.msk [tilespmem:v2+s9+$0x0], $0xffff;
	v2 =	vand.u32 $0x7F, v8  }
0xa4: {  	v14 =	vand.u32 $0xFFFFFE00, v14;
	v2 =	vor.u32 v6, v2;
	v6 =	vor.u32 v16, v9;
	v9 =	vld [tilespmem:s30+$0x100B0]  }
0xa5: {  	v22 =	vand.u32 $0xFFFFFE00, v22;
	v8 =	vor.u32 v14, v13;
	v16 =	vor.u32 $0x80, v6;
	v6 =	vld [tilespmem:s30+$0x10080]  }
0xa6: {  	[tilespmem:s10+$0x18080] =	vst v18;
	v18 =	vand.u32 $0x7F, v23;
	v13 =	vor.u32 $0x80, v7;
	v8 =	vor.u32 $0x80, v8;
	v11 =	vld.idx.msk [tilespmem:v11+s9+$0x0], $0xffff  }
0xa7: {  	v7 =	vor.u32 $0x80, v2;
	v2 =	vshll.u32 v5, $0x2;
	v5 =	vand.u32 $0x7F, v5  }
0xa8: {  	v21 =	vld.idx.msk [tilespmem:v3+s9+$0x0], $0xffff;
	v14 =	vshll.u32 v10, $0x2;
	v2 =	vand.u32 $0xFFFFFE00, v2;
	v10 =	vand.u32 $0x7F, v10  }
0xa9: {  	v3 =	vand.u32 $0xFFFFFE00, v14;
	v14 =	vand.u32 $0xFFFFFE00, v19;
	v2 =	vor.u32 v2, v5;
	v5 =	vld [tilespmem:s30+$0x100A0]  }
0xaa: {  	[tilespmem:s10+$0x18090] =	vst v12;
	v12 =	vld.idx.msk [tilespmem:v15+s9+$0x0], $0xffff;
	v3 =	vor.u32 v3, v10;
	v10 =	vshll.u32 v9, $0x2;
	v19 =	vand.u32 $0x7F, v9  }
0xab: {  	v9 =	vld [tilespmem:s30+$0x14090];
	v10 =	vand.u32 $0xFFFFFE00, v10;
	[tilespmem:s15+$0x180B0] =	vst v11;
	v11 =	vor.u32 v14, v17;
	v14 =	vshll.u32 v6, $0x2  }
0xac: {  	v19 =	vor.u32 v10, v19;
	v6 =	vand.u32 $0x7F, v6;
	v17 =	vld.idx.msk [tilespmem:v7+s9+$0x0], $0xffff;
	v14 =	vand.u32 $0xFFFFFE00, v14  }
0xad: {  	v19 =	vor.u32 $0x80, v19;
	v7 =	vld [tilespmem:s30+$0x14080];
	v24 =	vor.u32 v14, v6;
	v14 =	vand.u32 $0x7F, v20  }
0xae: {  	v10 =	vld [tilespmem:s30+$0x140A0];
	v6 =	vor.u32 $0x80, v3;
	v20 =	vshll.u32 v5, $0x2;
	v3 =	vor.u32 $0x80, v11  }
0xaf: {  	[tilespmem:s10+$0x1C0B0] =	vst v4;
	v5 =	vand.u32 $0x7F, v5;
	v4 =	vor.u32 v22, v14;
	v14 =	vld.idx.msk [tilespmem:v13+s9+$0x0], $0xffff;
	v11 =	vand.u32 $0xFFFFFE00, v20  }
0xb0: {  	v2 =	vor.u32 $0x80, v2;
	v13 =	vld.idx.msk [tilespmem:v8+s9+$0x0], $0xffff;
	v8 =	vor.u32 $0x80, v24;
	v5 =	vor.u32 v11, v5  }
0xb1: {  	s21 =	simm.s32 $0xC0;
	s18 =	simm.s32 $0x0;
	[tilespmem:s10+$0x180A0] =	vst v21;
	v20 =	vshll.u32 v23, $0x2;
	v4 =	vor.u32 $0x80, v4;
	v11 =	vld.idx.msk [tilespmem:v16+s9+$0x0], $0xffff;
	v5 =	vor.u32 $0x80, v5  }
0xb2: {  	s1 =	simm.s32 $0x8;
	s0 =	simm.s32 $0x0;
	s5 =	simm.s32 $0x300;
	v15 =	vld.idx.msk [tilespmem:v19+s9+$0x0], $0xffff;
	v19 =	vand.u32 $0xFFFFFE00, v20;
	v16 =	vshll.u32 v7, $0x2;
	[tilespmem:s15+$0x1C0B0] =	vst v17;
	v17 =	vshll.u32 v9, $0x2  }
.LBB2_5:
0xb3: {  	s2 =	sand.u32 $0x40, s21;
	s3 =	sand.u32 $0x1E00, s5;
	s1 =	sadd.s32 $0x4, s1;
	v16 =	vand.u32 $0xFFFFFE00, v16;
	v20 =	vshll.u32 v10, $0x2;
	v18 =	vor.u32 v19, v18;
	v19 =	vld.idx.msk [tilespmem:v0+s18+$0x0], $0xffff;
	v0 =	vmovc v6  }
0xb4: {  	v6 =	vand.u32 $0xFFFFFE00, v17;
	s2 =	sor.u32 s2, s3;
	p1 =	slt.u32 s1, $0x7C;
	v17 =	vand.u32 $0xFFFFFE00, v20;
	v18 =	vor.u32 $0x80, v18;
	[tilespmem:s15+$0x18080] =	vst v14;
	v14 =	vld.idx.msk [tilespmem:v1+s18+$0x0], $0xffff;
	v1 =	vmovc v3;
	s18 =	smov.u32 s0  }
0xb5: {  	v3 =	vand.u32 $0x7F, v7;
	v7 =	vand.u32 $0x7F, v9;
	v9 =	vand.u32 $0x7F, v10;
	s0 =	smov.u32 s9;
	v20 =	vld [tilespmem:s2+$0x100B0];
	[tilespmem:s15+$0x18090] =	vst v13  }
0xb6: {  	v3 =	vor.u32 v16, v3;
	v6 =	vor.u32 v6, v7;
	v7 =	vor.u32 v17, v9;
	v13 =	vld [tilespmem:s2+$0x10080];
	[tilespmem:s15+$0x180A0] =	vst v11  }
0xb7: {  	v17 =	vor.u32 $0x80, v3;
	v6 =	vor.u32 $0x80, v6;
	v3 =	vor.u32 $0x80, v7;
	v11 =	vld [tilespmem:s2+$0x10090];
	[tilespmem:s10+$0x1C080] =	vst v12  }
0xb8: {  	v12 =	vld [tilespmem:s2+$0x100A0];
	[tilespmem:s30+$0x180B0] =	vst v15  }
0xb9: {  	v15 =	vld.idx.msk [tilespmem:v18+s0+$0x0], $0xffff;
	[tilespmem:s10+$0x1C090] =	vst v19  }
0xba: {  	v7 =	vld [tilespmem:s2+$0x14080];
	v10 =	vshll.u32 v20, $0x2;
	[tilespmem:s10+$0x1C0A0] =	vst v14;
	s10 =	smov.u32 s15;
	s15 =	smov.u32 s30;
	s30 =	smov.u32 s2  }
0xbb: {  	v16 =	vand.u32 $0x7F, v20;
	v14 =	vshll.u32 v13, $0x2;
	v9 =	vld [tilespmem:s30+$0x14090];
	v10 =	vand.u32 $0xFFFFFE00, v10  }
0xbc: {  	v18 =	vand.u32 $0xFFFFFE00, v14;
	v14 =	vshll.u32 v11, $0x2;
	v16 =	vor.u32 v10, v16;
	v19 =	vld [tilespmem:s30+$0x140B0]  }
0xbd: {  	v20 =	vand.u32 $0xFFFFFE00, v14;
	v14 =	vshll.u32 v12, $0x2;
	v10 =	vld [tilespmem:s30+$0x140A0];
	v21 =	vor.u32 $0x80, v16  }
.Ltmp3:
0xbe: {  	v13 =	vand.u32 $0x7F, v13;
	v11 =	vand.u32 $0x7F, v11;
	v16 =	vand.u32 $0xFFFFFE00, v14;
	v14 =	vld.idx.msk [tilespmem:v8+s0+$0x0], $0xffff;
	(pc) =	sbr.rel @p1 .LBB2_5-.Ltmp3, $4  }
0xbf: {  	v12 =	vand.u32 $0x7F, v12;
	v8 =	vor.u32 v18, v13;
	v11 =	vor.u32 v20, v11;
	v13 =	vld.idx.msk [tilespmem:v4+s0+$0x0], $0xffff;
	[tilespmem:s15+$0x1C0B0] =	vst v15  }
0xc0: {  	v8 =	vor.u32 $0x80, v8;
	v4 =	vor.u32 $0x80, v11;
	v12 =	vor.u32 v16, v12;
	v11 =	vld.idx.msk [tilespmem:v5+s0+$0x0], $0xffff  }
0xc1: {  	v16 =	vshll.u32 v7, $0x2;
	v5 =	vor.u32 $0x80, v12;
	v20 =	vshll.u32 v19, $0x2;
	v12 =	vld.idx.msk [tilespmem:v2+s18+$0x0], $0xffff;
	v2 =	vmovc v17  }
0xc2: {  	s5 =	sadd.s32 $0x100, s5;
	s21 =	sadd.s32 $0x40, s21;
	v17 =	vshll.u32 v9, $0x2;
	v18 =	vand.u32 $0x7F, v19;
	v15 =	vld.idx.msk [tilespmem:v21+s9+$0x0], $0xffff;
	v19 =	vand.u32 $0xFFFFFE00, v20  }
0xc3: {  	_ =	sdelay $0x3  }
0xc4: {  	v0 =	vld.idx.msk [tilespmem:v0+s18+$0x0], $0xffff;
	[tilespmem:s15+$0x18080] =	vst v14  }
0xc5: {  	v18 =	vor.u32 v19, v18;
	v14 =	vand.u32 $0xFFFFFE00, v16;
	v1 =	vld.idx.msk [tilespmem:v1+s18+$0x0], $0xffff;
	v16 =	vand.u32 $0xFFFFFE00, v17;
	[tilespmem:s15+$0x18090] =	vst v13  }
0xc6: {  	v7 =	vand.u32 $0x7F, v7;
	v9 =	vand.u32 $0x7F, v9;
	v8 =	vld.idx.msk [tilespmem:v8+s9+$0x0], $0xffff;
	v18 =	vor.u32 $0x80, v18;
	[tilespmem:s15+$0x180A0] =	vst v11  }
0xc7: {  	v4 =	vld.idx.msk [tilespmem:v4+s9+$0x0], $0xffff;
	v7 =	vor.u32 v14, v7;
	v9 =	vor.u32 v16, v9;
	[tilespmem:s30+$0x180B0] =	vst v15;
	v15 =	vshll.u32 v10, $0x2  }
0xc8: {  	v7 =	vor.u32 $0x80, v7;
	[tilespmem:s10+$0x1C080] =	vst v12;
	v3 =	vld.idx.msk [tilespmem:v3+s0+$0x0], $0xffff;
	v10 =	vand.u32 $0x7F, v10;
	v15 =	vand.u32 $0xFFFFFE00, v15  }
0xc9: {  	v9 =	vor.u32 $0x80, v9;
	[tilespmem:s10+$0x1C090] =	vst v0;
	v0 =	vld.idx.msk [tilespmem:v5+s9+$0x0], $0xffff;
	v10 =	vor.u32 v15, v10  }
0xca: {  	[tilespmem:s10+$0x1C0A0] =	vst v1;
	v1 =	vld.idx.msk [tilespmem:v2+s0+$0x0], $0xffff;
	v5 =	vor.u32 $0x80, v10  }
0xcb: {  	v2 =	vld.idx.msk [tilespmem:v6+s0+$0x0], $0xffff;
	[tilespmem:s30+$0x18080] =	vst v8  }
0xcc: {  	[tilespmem:s30+$0x18090] =	vst v4;
	v13 =	vld.idx.msk [tilespmem:v18+s9+$0x0], $0xffff  }
0xcd: {  	v4 =	vld.idx.msk [tilespmem:v7+s9+$0x0], $0xffff;
	[tilespmem:s15+$0x1C0A0] =	vst v3  }
0xce: {  	[tilespmem:s30+$0x180A0] =	vst v0;
	v0 =	vld.idx.msk [tilespmem:v9+s9+$0x0], $0xffff  }
0xcf: {  	[tilespmem:s15+$0x1C080] =	vst v1;
	v1 =	vld.idx.msk [tilespmem:v5+s9+$0x0], $0xffff  }
0xd0: {  	p1 =	por $0x0, $0x0;
	s0 =	simm.s32 $0x1;
	[tilespmem:s15+$0x1C090] =	vst v2  }
0xd1: {  	s0 =	simm.s32 @!p1 $0x0;
	[tilespmem:s30+$0x1C0B0] =	vst v13  }
0xd2: {  	s0 =	sshll.u32 s0, $0x6;
	[tilespmem:s30+$0x1C080] =	vst v4  }
0xd3: {  	s10 =	sadd.s32 $0x0, s0;
	[tilespmem:s30+$0x1C090] =	vst v0  }
0xd4: {  	s0 =	sor.u32 $0x130, s10;
	[tilespmem:s30+$0x1C0A0] =	vst v1  }
0xd5: {  	s21 =	sor.u32 $0x100, s10;
	v0 =	vld [tilespmem:s0+$0x10000]  }
0xd6: {  	s24 =	sor.u32 $0x120, s10;
	v1 =	vld [tilespmem:s21+$0x10000]  }
0xd7: {  	s22 =	sor.u32 $0x110, s10;
	v5 =	vld [tilespmem:s24+$0x10000]  }
0xd8: {  	v4 =	vld [tilespmem:s22+$0x10000];
	_ =	sdelay $0x2  }
0xd9: {  	v2 =	vshll.u32 v0, $0x2  }
0xda: {  	p6 =	por $0x1, $0x1;
	v3 =	vshll.u32 v1, $0x2;
	v0 =	vand.u32 $0x7F, v0;
	v8 =	vshll.u32 v5, $0x2  }
.Ltmp4:
0xdb: {  	v2 =	vand.u32 $0xFFFFFE00, v2;
	v6 =	vand.u32 $0xFFFFFE00, v3;
	v3 =	vshll.u32 v4, $0x2;
	(pc) =	sbr.rel @!p6 .LBB2_7-.Ltmp4, $4  }
0xdc: {  	v11 =	vld [tilespmem:s0+$0x14000];
	v5 =	vand.u32 $0x7F, v5;
	v0 =	vor.u32 v2, v0;
	v7 =	vand.u32 $0xFFFFFE00, v3  }
0xdd: {  	v2 =	vld [tilespmem:s21+$0x14000];
	v12 =	vor.u32 $0x100, v0;
	v0 =	vand.u32 $0x7F, v1;
	v1 =	vand.u32 $0x7F, v4  }
0xde: {  	v3 =	vld [tilespmem:s22+$0x14000];
	v4 =	vand.u32 $0xFFFFFE00, v8;
	v0 =	vor.u32 v6, v0;
	v6 =	vor.u32 v7, v1  }
0xdf: {  	p2 =	por !p1, !p1;
	v7 =	vld [tilespmem:s24+$0x14000];
	v15 =	vor.u32 v4, v5;
	v1 =	vor.u32 $0x100, v0;
	v0 =	vor.u32 $0x100, v6  }
0xe0: {  	s1 =	simm.s32 $0x1  }
0xe1: {  	s1 =	simm.s32 @!p2 $0x0  }
0xe2: {  	v4 =	vshll.u32 v11, $0x2;
	s1 =	sshll.u32 s1, $0x6  }
0xe3: {  	v5 =	vand.u32 $0x7F, v11;
	v4 =	vand.u32 $0xFFFFFE00, v4;
	s1 =	sadd.s32 $0x100, s1  }
0xe4: {  	v6 =	vld.idx.msk [tilespmem:v12+s9+$0x0], $0xffff;
	v10 =	vor.u32 $0x100, v15;
	v4 =	vor.u32 v4, v5;
	s25 =	sor.u32 $0x130, s1  }
0xe5: {  	v5 =	vshll.u32 v2, $0x2;
	v4 =	vor.u32 $0x100, v4;
	s15 =	sor.u32 $0x100, s1;
	v8 =	vld [tilespmem:s25+$0x10000]  }
0xe6: {  	s12 =	smov.u32 s11;
	v9 =	vshll.u32 v3, $0x2;
	v2 =	vand.u32 $0x7F, v2;
	v3 =	vand.u32 $0x7F, v3;
	s30 =	sor.u32 $0x110, s1;
	v13 =	vld [tilespmem:s15+$0x10000]  }
0xe7: {  	s11 =	smov.u32 s6;
	s6 =	smov.u32 s31;
	v5 =	vand.u32 $0xFFFFFE00, v5;
	v11 =	vshll.u32 v7, $0x2;
	v9 =	vand.u32 $0xFFFFFE00, v9;
	s31 =	sor.u32 $0x120, s1;
	v14 =	vld [tilespmem:s30+$0x10000]  }
0xe8: {  	v7 =	vand.u32 $0x7F, v7;
	v11 =	vand.u32 $0xFFFFFE00, v11;
	v2 =	vor.u32 v5, v2;
	v15 =	vld [tilespmem:s31+$0x10000]  }
0xe9: {  	[tilespmem:s0+$0x18000] =	vst v6;
	v3 =	vor.u32 v9, v3;
	v10 =	vld.idx.msk [tilespmem:v10+s9+$0x0], $0xffff;
	v5 =	vor.u32 v11, v7;
	v6 =	vor.u32 $0x100, v2  }
0xea: {  	v5 =	vor.u32 $0x100, v5;
	v16 =	vld.idx.msk [tilespmem:v4+s9+$0x0], $0xffff;
	v4 =	vor.u32 $0x100, v3;
	v7 =	vshll.u32 v8, $0x2  }
0xeb: {  	p5 =	por $0x1, $0x1;
	v2 =	vld [tilespmem:s15+$0x14000];
	v9 =	vshll.u32 v13, $0x2;
	v8 =	vand.u32 $0x7F, v8;
	v7 =	vand.u32 $0xFFFFFE00, v7  }
.Ltmp5:
0xec: {  	v11 =	vld [tilespmem:s25+$0x14000];
	v17 =	vand.u32 $0xFFFFFE00, v9;
	v9 =	vshll.u32 v14, $0x2;
	v8 =	vor.u32 v7, v8;
	(pc) =	sbr.rel @!p5 .LBB2_9-.Ltmp5, $4  }
0xed: {  	v3 =	vld [tilespmem:s30+$0x14000];
	v18 =	vand.u32 $0xFFFFFE00, v9;
	v9 =	vshll.u32 v15, $0x2;
	v15 =	vand.u32 $0x7F, v15  }
0xee: {  	v7 =	vld [tilespmem:s31+$0x14000];
	v12 =	vor.u32 $0x100, v8;
	v8 =	vand.u32 $0x7F, v13;
	v13 =	vand.u32 $0x7F, v14  }
0xef: {  	v14 =	vand.u32 $0xFFFFFE00, v9;
	v9 =	vld.idx.msk [tilespmem:v1+s9+$0x0], $0xffff;
	v1 =	vor.u32 v17, v8;
	v13 =	vor.u32 v18, v13  }
0xf0: {  	p3 =	por !p2, !p2;
	p4 =	por $0x1, $0x1;
	v8 =	vld.idx.msk [tilespmem:v0+s9+$0x0], $0xffff;
	[tilespmem:s0+$0x1C000] =	vst v16;
	v15 =	vor.u32 v14, v15;
	v1 =	vor.u32 $0x100, v1;
	v0 =	vor.u32 $0x100, v13  }
0xf1: {  	s0 =	simm.s32 @!p2 $0x0  }
0xf2: {  	s0 =	simm.s32 @p2 $0x1  }
0xf3: {  	[smem:$0x7FD] =	sst s0;
	s0 =	simm.s32 $0x1  }
0xf4: {  	s0 =	simm.s32 @!p3 $0x0  }
0xf5: {  	s0 =	sshll.u32 s0, $0x6  }
0xf6: {  	s2 =	sadd.s32 $0x200, s0  }
0xf7: {  	v13 =	vshll.u32 v11, $0x2;
	v12 =	vld.idx.msk [tilespmem:v12+s9+$0x0], $0xffff;
	s0 =	sor.u32 $0x130, s2  }
0xf8: {  	v11 =	vand.u32 $0x7F, v11;
	v17 =	vor.u32 $0x100, v15;
	v13 =	vand.u32 $0xFFFFFE00, v13;
	s1 =	sor.u32 $0x100, s2;
	v15 =	vld [tilespmem:s0+$0x10000]  }
0xf9: {  	v11 =	vor.u32 v13, v11;
	s5 =	sor.u32 $0x110, s2;
	v18 =	vld [tilespmem:s1+$0x10000]  }
0xfa: {  	v14 =	vshll.u32 v3, $0x2;
	v3 =	vand.u32 $0x7F, v3;
	v11 =	vor.u32 $0x100, v11;
	s18 =	sor.u32 $0x120, s2;
	v19 =	vld [tilespmem:s5+$0x10000]  }
0xfb: {  	v13 =	vshll.u32 v2, $0x2;
	v16 =	vshll.u32 v7, $0x2;
	v14 =	vand.u32 $0xFFFFFE00, v14;
	v20 =	vld [tilespmem:s18+$0x10000]  }
0xfc: {  	v2 =	vand.u32 $0x7F, v2;
	v7 =	vand.u32 $0x7F, v7;
	v13 =	vand.u32 $0xFFFFFE00, v13  }
0xfd: {  	v16 =	vand.u32 $0xFFFFFE00, v16;
	v3 =	vor.u32 v14, v3;
	v2 =	vor.u32 v13, v2  }
0xfe: {  	v7 =	vor.u32 v16, v7;
	v14 =	vor.u32 $0x100, v3;
	v16 =	vor.u32 $0x100, v2;
	v2 =	vld [tilespmem:s1+$0x14000];
	[tilespmem:s25+$0x18000] =	vst v12  }
0xff: {  	v13 =	vor.u32 $0x100, v7;
	v21 =	vld.idx.msk [tilespmem:v11+s9+$0x0], $0xffff;
	v7 =	vshll.u32 v15, $0x2;
	v11 =	vshll.u32 v18, $0x2  }
0x100: {  	p2 =	por $0x1, $0x1;
	[tilespmem:s21+$0x18000] =	vst v9;
	v3 =	vld [tilespmem:s5+$0x14000];
	v12 =	vand.u32 $0x7F, v15;
	v22 =	vshll.u32 v19, $0x2;
	v9 =	vshll.u32 v20, $0x2  }
.Ltmp6:
0x101: {  	[tilespmem:s22+$0x18000] =	vst v8;
	v8 =	vand.u32 $0x7F, v18;
	v7 =	vand.u32 $0xFFFFFE00, v7;
	v15 =	vand.u32 $0xFFFFFE00, v11;
	v11 =	vld [tilespmem:s0+$0x14000];
	(pc) =	sbr.rel @!p2 .LBB2_11-.Ltmp6, $4  }
0x102: {  	v18 =	vand.u32 $0x7F, v19;
	v19 =	vand.u32 $0xFFFFFE00, v9;
	v9 =	vld.idx.msk [tilespmem:v1+s9+$0x0], $0xffff;
	v12 =	vor.u32 v7, v12  }
0x103: {  	v22 =	vand.u32 $0xFFFFFE00, v22;
	v7 =	vld [tilespmem:s18+$0x14000];
	v12 =	vor.u32 $0x100, v12  }
0x104: {  	s28 =	simm.s32 $0x8;
	[tilespmem:s24+$0x18000] =	vst v10;
	v1 =	vor.u32 v15, v8;
	v10 =	vor.u32 v22, v18;
	v15 =	vand.u32 $0x7F, v20;
	v8 =	vld.idx.msk [tilespmem:v0+s9+$0x0], $0xffff  }
0x105: {  	s29 =	simm.s32 $0x200;
	p6 =	por !p3, !p3;
	p5 =	por $0x1, $0x1;
	[tilespmem:s25+$0x1C000] =	vst v21;
	v1 =	vor.u32 $0x100, v1;
	v0 =	vor.u32 $0x100, v10;
	v15 =	vor.u32 v19, v15;
	v10 =	vld.idx.msk [tilespmem:v17+s9+$0x0], $0xffff  }
.LBB2_12:
0x106: {  	s2 =	simm.s32 $0x1  }
0x107: {  	s28 =	sadd.s32 $0x4, s28;
	v17 =	vshll.u32 v2, $0x2;
	v18 =	vor.u32 $0x100, v15;
	v15 =	vshll.u32 v11, $0x2;
	v19 =	vld.idx.msk [tilespmem:v6+s9+$0x0], $0xffff;
	v6 =	vmovc v16;
	s2 =	simm.s32 @!p6 $0x0  }
0x108: {  	v16 =	vshll.u32 v3, $0x2;
	v11 =	vand.u32 $0x7F, v11;
	s29 =	sadd.s32 $0x100, s29;
	p3 =	slt.u32 s28, $0x7C;
	v15 =	vand.u32 $0xFFFFFE00, v15;
	s2 =	sshll.u32 s2, $0x6;
	v12 =	vld.idx.msk [tilespmem:v12+s9+$0x0], $0xffff  }
0x109: {  	v17 =	vand.u32 $0xFFFFFE00, v17;
	v20 =	vshll.u32 v7, $0x2;
	v11 =	vor.u32 v15, v11;
	s3 =	sadd.s32 s2, s29;
	v15 =	vld.idx.msk [tilespmem:v4+s9+$0x0], $0xffff;
	v4 =	vmovc v14  }
0x10a: {  	v14 =	vand.u32 $0xFFFFFE00, v16;
	v16 =	vand.u32 $0xFFFFFE00, v20;
	v11 =	vor.u32 $0x100, v11;
	s4 =	sor.u32 $0x100, s3;
	s25 =	sor.u32 $0x110, s3;
	s2 =	sor.u32 $0x130, s3;
	[tilespmem:s15+$0x18000] =	vst v9;
	v9 =	vld.idx.msk [tilespmem:v5+s9+$0x0], $0xffff;
	v5 =	vmovc v13  }
0x10b: {  	v2 =	vand.u32 $0x7F, v2;
	v3 =	vand.u32 $0x7F, v3;
	v7 =	vand.u32 $0x7F, v7;
	s3 =	sor.u32 $0x120, s3;
	v20 =	vld [tilespmem:s2+$0x10000];
	[tilespmem:s30+$0x18000] =	vst v8  }
0x10c: {  	v2 =	vor.u32 v17, v2;
	v3 =	vor.u32 v14, v3;
	v7 =	vor.u32 v16, v7;
	v8 =	vld [tilespmem:s4+$0x10000];
	[tilespmem:s31+$0x18000] =	vst v10  }
0x10d: {  	v16 =	vor.u32 $0x100, v2;
	v14 =	vor.u32 $0x100, v3;
	v13 =	vor.u32 $0x100, v7;
	v10 =	vld [tilespmem:s25+$0x10000];
	[tilespmem:s21+$0x1C000] =	vst v19;
	s21 =	smov.u32 s15;
	s15 =	smov.u32 s1;
	s1 =	smov.u32 s4  }
0x10e: {  	v17 =	vld [tilespmem:s3+$0x10000];
	[tilespmem:s0+$0x18000] =	vst v12  }
0x10f: {  	v19 =	vld.idx.msk [tilespmem:v11+s9+$0x0], $0xffff;
	[tilespmem:s22+$0x1C000] =	vst v15;
	s22 =	smov.u32 s30;
	s30 =	smov.u32 s5;
	s5 =	smov.u32 s25  }
0x110: {  	v2 =	vld [tilespmem:s1+$0x14000];
	v7 =	vshll.u32 v20, $0x2;
	[tilespmem:s24+$0x1C000] =	vst v9;
	s24 =	smov.u32 s31;
	s31 =	smov.u32 s18;
	s18 =	smov.u32 s3  }
0x111: {  	v11 =	vand.u32 $0x7F, v20;
	v9 =	vshll.u32 v8, $0x2;
	v3 =	vld [tilespmem:s5+$0x14000];
	v7 =	vand.u32 $0xFFFFFE00, v7  }
.Ltmp7:
0x112: {  	v15 =	vand.u32 $0xFFFFFE00, v9;
	v9 =	vshll.u32 v10, $0x2;
	v12 =	vor.u32 v7, v11;
	v11 =	vld [tilespmem:s2+$0x14000];
	(pc) =	sbr.rel @p3 .LBB2_12-.Ltmp7, $4  }
0x113: {  	v20 =	vand.u32 $0xFFFFFE00, v9;
	v9 =	vshll.u32 v17, $0x2;
	v7 =	vld [tilespmem:s18+$0x14000];
	v12 =	vor.u32 $0x100, v12  }
0x114: {  	v8 =	vand.u32 $0x7F, v8;
	v10 =	vand.u32 $0x7F, v10;
	v21 =	vand.u32 $0xFFFFFE00, v9;
	v9 =	vld.idx.msk [tilespmem:v1+s9+$0x0], $0xffff  }
0x115: {  	v1 =	vor.u32 v15, v8;
	v10 =	vor.u32 v20, v10;
	v15 =	vand.u32 $0x7F, v17;
	v8 =	vld.idx.msk [tilespmem:v0+s9+$0x0], $0xffff;
	[tilespmem:s0+$0x1C000] =	vst v19;
	s0 =	smov.u32 s2  }
0x116: {  	p6 =	por !p6, !p6;
	v1 =	vor.u32 $0x100, v1;
	v0 =	vor.u32 $0x100, v10;
	v15 =	vor.u32 v21, v15;
	v10 =	vld.idx.msk [tilespmem:v18+s9+$0x0], $0xffff  }
0x117: {  	s4 =	smov.u32 s21;
	s25 =	smov.u32 s22;
	s3 =	smov.u32 s24  }
0x118: {  	s28 =	smov.u32 s15;
	s29 =	smov.u32 s30;
	s30 =	sld [smem:$0x7FD]  }
0x119: {  	s2 =	smov.u32 s31;
	s21 =	smov.u32 s1;
	s22 =	smov.u32 s5  }
0x11a: {  	v17 =	vmov v6;
	s24 =	smov.u32 s18;
	s31 =	smov.u32 s6;
	s6 =	smov.u32 s11  }
0x11b: {  	v18 =	vmovc v4;
	v19 =	vmovc v5;
	v6 =	vmov v16;
	v4 =	vmov v14;
	v5 =	vmov v13;
	s11 =	smov.u32 s12;
	p6 =	por $0x1, $0x1;
	p2 =	seq.s32 s30, $0x1  }
.LBB2_14:
0x11c: {  	_ =	sdelay $0x2  }
0x11d: {  	v13 =	vshll.u32 v11, $0x2;
	v11 =	vand.u32 $0x7F, v11;
	v15 =	vor.u32 $0x100, v15  }
0x11e: {  	v12 =	vld.idx.msk [tilespmem:v12+s9+$0x0], $0xffff;
	v16 =	vshll.u32 v3, $0x2;
	[tilespmem:s28+$0x18000] =	vst @p4 v9;
	v9 =	vshll.u32 v7, $0x2;
	v13 =	vand.u32 $0xFFFFFE00, v13  }
0x11f: {  	v14 =	vld.idx.msk @p5 [tilespmem:v17+s9+$0x0], $0xffff;
	v6 =	vpsel p4, v6, v0;
	v4 =	vpsel p4, v4, v0;
	v11 =	vor.u32 v13, v11  }
0x120: {  	v17 =	vld.idx.msk @p5 [tilespmem:v18+s9+$0x0], $0xffff;
	v3 =	vand.u32 $0x7F, v3;
	v13 =	vshll.u32 v2, $0x2;
	v11 =	vor.u32 $0x100, v11  }
0x121: {  	v18 =	vld.idx.msk @p5 [tilespmem:v19+s9+$0x0], $0xffff;
	[tilespmem:s29+$0x18000] =	vst @p4 v8;
	v5 =	vpsel p4, v5, v0;
	v2 =	vand.u32 $0x7F, v2;
	v13 =	vand.u32 $0xFFFFFE00, v13  }
0x122: {  	[tilespmem:s2+$0x18000] =	vst @p4 v10;
	v1 =	vld.idx.msk [tilespmem:v1+s9+$0x0], $0xffff;
	v7 =	vand.u32 $0x7F, v7;
	v16 =	vand.u32 $0xFFFFFE00, v16;
	v2 =	vor.u32 v13, v2  }
0x123: {  	v0 =	vld.idx.msk [tilespmem:v0+s9+$0x0], $0xffff;
	v9 =	vand.u32 $0xFFFFFE00, v9;
	v3 =	vor.u32 v16, v3;
	[tilespmem:s0+$0x18000] =	vst v12;
	v2 =	vor.u32 $0x100, v2  }
0x124: {  	v7 =	vor.u32 v9, v7;
	v3 =	vor.u32 $0x100, v3;
	[tilespmem:s4+$0x1C000] =	vst @p5 v14;
	v9 =	vld.idx.msk [tilespmem:v15+s9+$0x0], $0xffff  }
0x125: {  	[tilespmem:s25+$0x1C000] =	vst @p5 v17;
	v8 =	vld.idx.msk [tilespmem:v11+s9+$0x0], $0xffff  }
0x126: {  	v7 =	vor.u32 $0x100, v7;
	[tilespmem:s3+$0x1C000] =	vst @p5 v18;
	v4 =	vld.idx.msk @p4 [tilespmem:v4+s9+$0x0], $0xffff  }
0x127: {  	v6 =	vld.idx.msk @p4 [tilespmem:v6+s9+$0x0], $0xffff;
	[tilespmem:s21+$0x18000] =	vst v1  }
0x128: {  	[tilespmem:s22+$0x18000] =	vst v0;
	v0 =	vld.idx.msk [tilespmem:v2+s9+$0x0], $0xffff  }
0x129: {  	s1 =	smov.u32 @p4 s29;
	[tilespmem:s24+$0x18000] =	vst v9;
	v2 =	vld.idx.msk [tilespmem:v3+s9+$0x0], $0xffff  }
0x12a: {  	s1 =	smov.u32 @p4 s1;
	v1 =	vld.idx.msk @p4 [tilespmem:v5+s9+$0x0], $0xffff;
	[tilespmem:s0+$0x1C000] =	vst v8;
	s0 =	smov.u32 @p4 s28  }
0x12b: {  	[tilespmem:s1+$0x1C000] =	vst @p4 v4;
	v3 =	vld.idx.msk [tilespmem:v7+s9+$0x0], $0xffff;
	s0 =	smov.u32 @p4 s0  }
0x12c: {  	[tilespmem:s0+$0x1C000] =	vst @p4 v6  }
0x12d: {  	[tilespmem:s21+$0x1C000] =	vst v0  }
0x12e: {  	s0 =	smov.u32 @p4 s2;
	[tilespmem:s22+$0x1C000] =	vst v2  }
0x12f: {  	[tilespmem:s0+$0x1C000] =	vst @p4 v1  }
0x130: {  	[tilespmem:s24+$0x1C000] =	vst v3;
	s0 =	sor.u32 $0x1B0, s10  }
0x131: {  	s9 =	sor.u32 $0x180, s10;
	v0 =	vld [tilespmem:s0+$0x10000]  }
0x132: {  	s15 =	sor.u32 $0x190, s10;
	s10 =	sor.u32 $0x1A0, s10;
	v1 =	vld [tilespmem:s9+$0x10000]  }
0x133: {  	v5 =	vld [tilespmem:s10+$0x10000]  }
0x134: {  	v4 =	vld [tilespmem:s15+$0x10000];
	_ =	sdelay $0x2  }
0x135: {  	v2 =	vshll.u32 v0, $0x2  }
0x136: {  	v3 =	vshll.u32 v1, $0x2;
	v0 =	vand.u32 $0x7F, v0;
	v8 =	vshll.u32 v5, $0x2  }
.Ltmp8:
0x137: {  	v2 =	vand.u32 $0xFFFFFE00, v2;
	v6 =	vand.u32 $0xFFFFFE00, v3;
	v3 =	vshll.u32 v4, $0x2;
	(pc) =	sbr.rel @!p6 .LBB2_15-.Ltmp8, $4  }
0x138: {  	v11 =	vld [tilespmem:s0+$0x14000];
	v5 =	vand.u32 $0x7F, v5;
	v0 =	vor.u32 v2, v0;
	v7 =	vand.u32 $0xFFFFFE00, v3  }
0x139: {  	v2 =	vld [tilespmem:s9+$0x14000];
	v12 =	vor.u32 $0x180, v0;
	v0 =	vand.u32 $0x7F, v1;
	v1 =	vand.u32 $0x7F, v4  }
0x13a: {  	v3 =	vld [tilespmem:s15+$0x14000];
	v4 =	vand.u32 $0xFFFFFE00, v8;
	v0 =	vor.u32 v6, v0;
	v6 =	vor.u32 v7, v1  }
0x13b: {  	v7 =	vld [tilespmem:s10+$0x14000];
	v15 =	vor.u32 v4, v5;
	v1 =	vor.u32 $0x180, v0;
	v0 =	vor.u32 $0x180, v6  }
0x13c: {  	s1 =	simm.s32 $0x1  }
0x13d: {  	s1 =	simm.s32 @!p2 $0x0  }
0x13e: {  	v4 =	vshll.u32 v11, $0x2;
	s1 =	sshll.u32 s1, $0x6  }
0x13f: {  	v5 =	vand.u32 $0x7F, v11;
	v4 =	vand.u32 $0xFFFFFE00, v4;
	s2 =	sadd.s32 $0x100, s1  }
0x140: {  	v6 =	vld.idx.msk [tilespmem:v12+s7+$0x0], $0xffff;
	v10 =	vor.u32 $0x180, v15;
	v4 =	vor.u32 v4, v5;
	s25 =	sor.u32 $0x1B0, s2  }
0x141: {  	v5 =	vshll.u32 v2, $0x2;
	v4 =	vor.u32 $0x180, v4;
	s1 =	sor.u32 $0x180, s2;
	v8 =	vld [tilespmem:s25+$0x10000]  }
0x142: {  	v9 =	vshll.u32 v3, $0x2;
	v2 =	vand.u32 $0x7F, v2;
	v3 =	vand.u32 $0x7F, v3;
	s5 =	sor.u32 $0x190, s2;
	v13 =	vld [tilespmem:s1+$0x10000]  }
0x143: {  	v5 =	vand.u32 $0xFFFFFE00, v5;
	v11 =	vshll.u32 v7, $0x2;
	v9 =	vand.u32 $0xFFFFFE00, v9;
	s18 =	sor.u32 $0x1A0, s2;
	v14 =	vld [tilespmem:s5+$0x10000]  }
0x144: {  	v7 =	vand.u32 $0x7F, v7;
	v11 =	vand.u32 $0xFFFFFE00, v11;
	v2 =	vor.u32 v5, v2;
	v15 =	vld [tilespmem:s18+$0x10000]  }
0x145: {  	[tilespmem:s0+$0x18000] =	vst v6;
	v3 =	vor.u32 v9, v3;
	v10 =	vld.idx.msk [tilespmem:v10+s7+$0x0], $0xffff;
	v5 =	vor.u32 v11, v7;
	v6 =	vor.u32 $0x180, v2  }
0x146: {  	v5 =	vor.u32 $0x180, v5;
	v16 =	vld.idx.msk [tilespmem:v4+s7+$0x0], $0xffff;
	v4 =	vor.u32 $0x180, v3;
	v7 =	vshll.u32 v8, $0x2  }
0x147: {  	p4 =	por $0x1, $0x1;
	v2 =	vld [tilespmem:s1+$0x14000];
	v9 =	vshll.u32 v13, $0x2;
	v8 =	vand.u32 $0x7F, v8;
	v7 =	vand.u32 $0xFFFFFE00, v7  }
.Ltmp9:
0x148: {  	v11 =	vld [tilespmem:s25+$0x14000];
	v17 =	vand.u32 $0xFFFFFE00, v9;
	v9 =	vshll.u32 v14, $0x2;
	v8 =	vor.u32 v7, v8;
	(pc) =	sbr.rel @!p4 .LBB2_17-.Ltmp9, $4  }
0x149: {  	v3 =	vld [tilespmem:s5+$0x14000];
	v18 =	vand.u32 $0xFFFFFE00, v9;
	v9 =	vshll.u32 v15, $0x2;
	v15 =	vand.u32 $0x7F, v15  }
0x14a: {  	v7 =	vld [tilespmem:s18+$0x14000];
	v12 =	vor.u32 $0x180, v8;
	v8 =	vand.u32 $0x7F, v13;
	v13 =	vand.u32 $0x7F, v14  }
0x14b: {  	v14 =	vand.u32 $0xFFFFFE00, v9;
	v9 =	vld.idx.msk [tilespmem:v1+s7+$0x0], $0xffff;
	v1 =	vor.u32 v17, v8;
	v13 =	vor.u32 v18, v13  }
0x14c: {  	p3 =	por !p2, !p2;
	p2 =	por $0x1, $0x1;
	v8 =	vld.idx.msk [tilespmem:v0+s7+$0x0], $0xffff;
	[tilespmem:s0+$0x1C000] =	vst v16;
	v15 =	vor.u32 v14, v15;
	v1 =	vor.u32 $0x180, v1;
	v0 =	vor.u32 $0x180, v13  }
0x14d: {  	s0 =	simm.s32 $0x1  }
0x14e: {  	s0 =	simm.s32 @!p3 $0x0  }
0x14f: {  	s0 =	sshll.u32 s0, $0x6  }
0x150: {  	s2 =	sadd.s32 $0x200, s0  }
0x151: {  	v13 =	vshll.u32 v11, $0x2;
	v12 =	vld.idx.msk [tilespmem:v12+s7+$0x0], $0xffff;
	s0 =	sor.u32 $0x1B0, s2  }
0x152: {  	v11 =	vand.u32 $0x7F, v11;
	v17 =	vor.u32 $0x180, v15;
	v13 =	vand.u32 $0xFFFFFE00, v13;
	s21 =	sor.u32 $0x180, s2;
	v15 =	vld [tilespmem:s0+$0x10000]  }
0x153: {  	v11 =	vor.u32 v13, v11;
	s22 =	sor.u32 $0x190, s2;
	v18 =	vld [tilespmem:s21+$0x10000]  }
0x154: {  	v14 =	vshll.u32 v3, $0x2;
	v3 =	vand.u32 $0x7F, v3;
	v11 =	vor.u32 $0x180, v11;
	s24 =	sor.u32 $0x1A0, s2;
	v19 =	vld [tilespmem:s22+$0x10000]  }
0x155: {  	v13 =	vshll.u32 v2, $0x2;
	v16 =	vshll.u32 v7, $0x2;
	v14 =	vand.u32 $0xFFFFFE00, v14;
	v20 =	vld [tilespmem:s24+$0x10000]  }
0x156: {  	v2 =	vand.u32 $0x7F, v2;
	v7 =	vand.u32 $0x7F, v7;
	v13 =	vand.u32 $0xFFFFFE00, v13  }
0x157: {  	v16 =	vand.u32 $0xFFFFFE00, v16;
	v3 =	vor.u32 v14, v3;
	v2 =	vor.u32 v13, v2  }
0x158: {  	v7 =	vor.u32 v16, v7;
	v14 =	vor.u32 $0x180, v3;
	[tilespmem:s25+$0x18000] =	vst v12;
	v16 =	vor.u32 $0x180, v2;
	v2 =	vld [tilespmem:s21+$0x14000]  }
0x159: {  	v13 =	vor.u32 $0x180, v7;
	v21 =	vld.idx.msk [tilespmem:v11+s7+$0x0], $0xffff;
	v7 =	vshll.u32 v15, $0x2;
	v11 =	vshll.u32 v18, $0x2  }
0x15a: {  	p4 =	por $0x1, $0x1;
	[tilespmem:s9+$0x18000] =	vst v9;
	v3 =	vld [tilespmem:s22+$0x14000];
	v12 =	vand.u32 $0x7F, v15;
	v22 =	vshll.u32 v19, $0x2;
	v9 =	vshll.u32 v20, $0x2  }
.Ltmp10:
0x15b: {  	[tilespmem:s15+$0x18000] =	vst v8;
	v8 =	vand.u32 $0x7F, v18;
	v7 =	vand.u32 $0xFFFFFE00, v7;
	v15 =	vand.u32 $0xFFFFFE00, v11;
	v11 =	vld [tilespmem:s0+$0x14000];
	(pc) =	sbr.rel @!p4 .LBB2_19-.Ltmp10, $4  }
0x15c: {  	v18 =	vand.u32 $0x7F, v19;
	v19 =	vand.u32 $0xFFFFFE00, v9;
	v9 =	vld.idx.msk [tilespmem:v1+s7+$0x0], $0xffff;
	v12 =	vor.u32 v7, v12  }
0x15d: {  	v22 =	vand.u32 $0xFFFFFE00, v22;
	v7 =	vld [tilespmem:s24+$0x14000];
	v12 =	vor.u32 $0x180, v12  }
0x15e: {  	[tilespmem:s10+$0x18000] =	vst v10;
	s28 =	simm.s32 $0x8;
	v1 =	vor.u32 v15, v8;
	v10 =	vor.u32 v22, v18;
	v15 =	vand.u32 $0x7F, v20;
	v8 =	vld.idx.msk [tilespmem:v0+s7+$0x0], $0xffff  }
0x15f: {  	s29 =	simm.s32 $0x200;
	p1 =	por $0x1, $0x1;
	p3 =	por !p3, !p3;
	[tilespmem:s25+$0x1C000] =	vst v21;
	v1 =	vor.u32 $0x180, v1;
	v0 =	vor.u32 $0x180, v10;
	v15 =	vor.u32 v19, v15;
	v10 =	vld.idx.msk [tilespmem:v17+s7+$0x0], $0xffff  }
.LBB2_20:
0x160: {  	s2 =	simm.s32 $0x1  }
0x161: {  	s28 =	sadd.s32 $0x4, s28;
	v17 =	vshll.u32 v2, $0x2;
	v18 =	vor.u32 $0x180, v15;
	v15 =	vshll.u32 v11, $0x2;
	v19 =	vld.idx.msk [tilespmem:v6+s7+$0x0], $0xffff;
	v6 =	vmovc v16;
	s2 =	simm.s32 @!p3 $0x0  }
0x162: {  	v16 =	vshll.u32 v3, $0x2;
	v11 =	vand.u32 $0x7F, v11;
	s29 =	sadd.s32 $0x100, s29;
	p4 =	slt.u32 s28, $0x7C;
	v15 =	vand.u32 $0xFFFFFE00, v15;
	s2 =	sshll.u32 s2, $0x6;
	v12 =	vld.idx.msk [tilespmem:v12+s7+$0x0], $0xffff  }
0x163: {  	v17 =	vand.u32 $0xFFFFFE00, v17;
	v20 =	vshll.u32 v7, $0x2;
	v11 =	vor.u32 v15, v11;
	s3 =	sadd.s32 s2, s29;
	v15 =	vld.idx.msk [tilespmem:v4+s7+$0x0], $0xffff;
	v4 =	vmovc v14  }
0x164: {  	v14 =	vand.u32 $0xFFFFFE00, v16;
	v16 =	vand.u32 $0xFFFFFE00, v20;
	v11 =	vor.u32 $0x180, v11;
	s4 =	sor.u32 $0x180, s3;
	s25 =	sor.u32 $0x190, s3;
	s2 =	sor.u32 $0x1B0, s3;
	[tilespmem:s1+$0x18000] =	vst v9;
	v9 =	vld.idx.msk [tilespmem:v5+s7+$0x0], $0xffff;
	v5 =	vmovc v13  }
0x165: {  	v2 =	vand.u32 $0x7F, v2;
	v3 =	vand.u32 $0x7F, v3;
	v7 =	vand.u32 $0x7F, v7;
	s3 =	sor.u32 $0x1A0, s3;
	v20 =	vld [tilespmem:s2+$0x10000];
	[tilespmem:s5+$0x18000] =	vst v8  }
0x166: {  	v2 =	vor.u32 v17, v2;
	v3 =	vor.u32 v14, v3;
	v7 =	vor.u32 v16, v7;
	v8 =	vld [tilespmem:s4+$0x10000];
	[tilespmem:s18+$0x18000] =	vst v10  }
0x167: {  	v16 =	vor.u32 $0x180, v2;
	v14 =	vor.u32 $0x180, v3;
	v13 =	vor.u32 $0x180, v7;
	v10 =	vld [tilespmem:s25+$0x10000];
	[tilespmem:s9+$0x1C000] =	vst v19;
	s9 =	smov.u32 s1;
	s1 =	smov.u32 s21;
	s21 =	smov.u32 s4  }
0x168: {  	v17 =	vld [tilespmem:s3+$0x10000];
	[tilespmem:s0+$0x18000] =	vst v12  }
0x169: {  	v19 =	vld.idx.msk [tilespmem:v11+s7+$0x0], $0xffff;
	[tilespmem:s15+$0x1C000] =	vst v15;
	s15 =	smov.u32 s5;
	s5 =	smov.u32 s22;
	s22 =	smov.u32 s25  }
0x16a: {  	v2 =	vld [tilespmem:s21+$0x14000];
	v7 =	vshll.u32 v20, $0x2;
	[tilespmem:s10+$0x1C000] =	vst v9;
	s10 =	smov.u32 s18;
	s18 =	smov.u32 s24;
	s24 =	smov.u32 s3  }
0x16b: {  	v11 =	vand.u32 $0x7F, v20;
	v9 =	vshll.u32 v8, $0x2;
	v3 =	vld [tilespmem:s22+$0x14000];
	v7 =	vand.u32 $0xFFFFFE00, v7  }
.Ltmp11:
0x16c: {  	v15 =	vand.u32 $0xFFFFFE00, v9;
	v9 =	vshll.u32 v10, $0x2;
	v12 =	vor.u32 v7, v11;
	v11 =	vld [tilespmem:s2+$0x14000];
	(pc) =	sbr.rel @p4 .LBB2_20-.Ltmp11, $4  }
0x16d: {  	v20 =	vand.u32 $0xFFFFFE00, v9;
	v9 =	vshll.u32 v17, $0x2;
	v7 =	vld [tilespmem:s24+$0x14000];
	v12 =	vor.u32 $0x180, v12  }
0x16e: {  	v8 =	vand.u32 $0x7F, v8;
	v10 =	vand.u32 $0x7F, v10;
	v21 =	vand.u32 $0xFFFFFE00, v9;
	v9 =	vld.idx.msk [tilespmem:v1+s7+$0x0], $0xffff  }
0x16f: {  	v1 =	vor.u32 v15, v8;
	v10 =	vor.u32 v20, v10;
	v15 =	vand.u32 $0x7F, v17;
	v8 =	vld.idx.msk [tilespmem:v0+s7+$0x0], $0xffff;
	[tilespmem:s0+$0x1C000] =	vst v19;
	s0 =	smov.u32 s2  }
0x170: {  	p3 =	por !p3, !p3;
	v1 =	vor.u32 $0x180, v1;
	v0 =	vor.u32 $0x180, v10;
	v15 =	vor.u32 v21, v15;
	v10 =	vld.idx.msk [tilespmem:v18+s7+$0x0], $0xffff  }
0x171: {  	s4 =	smov.u32 s9;
	s3 =	smov.u32 s15;
	s25 =	smov.u32 s10  }
0x172: {  	v17 =	vmov v6;
	s28 =	smov.u32 s1;
	s2 =	smov.u32 s5;
	s29 =	smov.u32 s18  }
0x173: {  	v18 =	vmovc v4;
	v19 =	vmovc v5;
	v6 =	vmov v16;
	v4 =	vmov v14;
	v5 =	vmov v13;
	s9 =	smov.u32 s21;
	s15 =	smov.u32 s22;
	s10 =	smov.u32 s24  }
.LBB2_22:
0x174: {  	_ =	sdelay $0x2  }
0x175: {  	v13 =	vshll.u32 v11, $0x2;
	v11 =	vand.u32 $0x7F, v11;
	v15 =	vor.u32 $0x180, v15  }
0x176: {  	v12 =	vld.idx.msk [tilespmem:v12+s7+$0x0], $0xffff;
	v16 =	vshll.u32 v3, $0x2;
	[tilespmem:s28+$0x18000] =	vst @p2 v9;
	v9 =	vshll.u32 v7, $0x2;
	v13 =	vand.u32 $0xFFFFFE00, v13  }
0x177: {  	v14 =	vld.idx.msk @p1 [tilespmem:v17+s7+$0x0], $0xffff;
	v6 =	vpsel p2, v6, v0;
	v4 =	vpsel p2, v4, v0;
	v11 =	vor.u32 v13, v11  }
0x178: {  	v17 =	vld.idx.msk @p1 [tilespmem:v18+s7+$0x0], $0xffff;
	v3 =	vand.u32 $0x7F, v3;
	v13 =	vshll.u32 v2, $0x2;
	v11 =	vor.u32 $0x180, v11  }
0x179: {  	v18 =	vld.idx.msk @p1 [tilespmem:v19+s7+$0x0], $0xffff;
	[tilespmem:s2+$0x18000] =	vst @p2 v8;
	v5 =	vpsel p2, v5, v0;
	v2 =	vand.u32 $0x7F, v2;
	v13 =	vand.u32 $0xFFFFFE00, v13  }
0x17a: {  	v1 =	vld.idx.msk [tilespmem:v1+s7+$0x0], $0xffff;
	v7 =	vand.u32 $0x7F, v7;
	v16 =	vand.u32 $0xFFFFFE00, v16;
	[tilespmem:s29+$0x18000] =	vst @p2 v10;
	v2 =	vor.u32 v13, v2  }
0x17b: {  	v0 =	vld.idx.msk [tilespmem:v0+s7+$0x0], $0xffff;
	v9 =	vand.u32 $0xFFFFFE00, v9;
	v3 =	vor.u32 v16, v3;
	[tilespmem:s0+$0x18000] =	vst v12;
	v2 =	vor.u32 $0x180, v2  }
0x17c: {  	v7 =	vor.u32 v9, v7;
	v3 =	vor.u32 $0x180, v3;
	[tilespmem:s4+$0x1C000] =	vst @p1 v14;
	v9 =	vld.idx.msk [tilespmem:v15+s7+$0x0], $0xffff  }
0x17d: {  	[tilespmem:s3+$0x1C000] =	vst @p1 v17;
	v8 =	vld.idx.msk [tilespmem:v11+s7+$0x0], $0xffff  }
0x17e: {  	v7 =	vor.u32 $0x180, v7;
	[tilespmem:s25+$0x1C000] =	vst @p1 v18;
	v4 =	vld.idx.msk @p2 [tilespmem:v4+s7+$0x0], $0xffff  }
0x17f: {  	v6 =	vld.idx.msk @p2 [tilespmem:v6+s7+$0x0], $0xffff;
	[tilespmem:s9+$0x18000] =	vst v1  }
0x180: {  	[tilespmem:s15+$0x18000] =	vst v0;
	v0 =	vld.idx.msk [tilespmem:v2+s7+$0x0], $0xffff  }
0x181: {  	s1 =	smov.u32 @p2 s2;
	[tilespmem:s10+$0x18000] =	vst v9;
	v2 =	vld.idx.msk [tilespmem:v3+s7+$0x0], $0xffff  }
0x182: {  	s1 =	smov.u32 @p2 s1;
	v1 =	vld.idx.msk @p2 [tilespmem:v5+s7+$0x0], $0xffff;
	[tilespmem:s0+$0x1C000] =	vst v8;
	s0 =	smov.u32 @p2 s28  }
0x183: {  	[tilespmem:s1+$0x1C000] =	vst @p2 v4;
	v3 =	vld.idx.msk [tilespmem:v7+s7+$0x0], $0xffff;
	s0 =	smov.u32 @p2 s0  }
0x184: {  	[tilespmem:s0+$0x1C000] =	vst @p2 v6  }
0x185: {  	s2 =	smov.u32 @p2 s29;
	[tilespmem:s9+$0x1C000] =	vst v0  }
0x186: {  	s0 =	smov.u32 @p2 s2;
	[tilespmem:s15+$0x1C000] =	vst v2  }
0x187: {  	s12 =	sadd.s32 s13, s8;
	p1 =	seq.s32 s19, $0xF;
	[tilespmem:s0+$0x1C000] =	vst @p2 v1  }
0x188: {  	s18 =	sadd.s32 s11, s8;
	s15 =	simm.s32 $0x1C000;
	[tilespmem:s10+$0x1C000] =	vst v3;
	s0 =	sshll.u32 @!p1 s19, $0x3  }
0x189: {  	[hbm4b:s12+s16] =	stream.strided.scatter [tilespmem:s15], [sflag:$0x5], $0x2000, s17, s16, $0x38;
	v63 =	vld [tilespmem:$0x0]  }
0x18a: {  	s21 =	simm.s32 $0x18000;
	s3 =	simm.s32 @!p1 $0x400;
	s0 =	sadd.s32 @!p1 s0, s14  }
0x18b: {  	s4 =	simm.s32 @!p1 $0x0;
	s2 =	rddreg [dreg:$0x0];
	s1 =	sshll.u32 @!p1 s0, $0xA  }
0x18c: {  	[hbm4b:s18+s16] =	stream.strided.scatter [tilespmem:s21], [sflag:$0x3], $0x2000, s17, s16, $0x38;
	v63 =	vld [tilespmem:$0x0]  }
0x18d: {  	s0 =	sshll.u32 @!p1 s0, $0x8;
	s1 =	sadd.s32 @!p1 s2, s1;
	s2 =	simm.s32 @!p1 $0x200  }
0x18e: {  	[tilespmem:s4], [sflag:$0x1] =	stream.strided.gather @!p1 [hbm4b:s1+s2], $0x8000, s3, s2, $0x38;
	v63 =	vld [tilespmem:$0x0]  }
0x18f: {  	s1 =	sadd.s32 @!p1 s31, s0;
	s4 =	simm.s32 @!p1 $0x10000  }
0x190: {  	[tilespmem:s4], [sflag:$0x1] =	stream.strided.gather @!p1 [hbm4b:s1+s2], $0x2000, s3, s2, $0x38;
	v63 =	vld [tilespmem:$0x0]  }
0x191: {  	s0 =	sadd.s32 @!p1 s6, s0;
	s1 =	simm.s32 @!p1 $0x14000  }
0x192: {  	[tilespmem:s1], [sflag:$0x1] =	stream.strided.gather @!p1 [hbm4b:s0+s2], $0x2000, s3, s2, $0x38;
	v63 =	vld [tilespmem:$0x0]  }
0x193: {  	_ =	swait.ge [sflag:s26], $0x8000  }
0x194: {  	[sflag:s26] =	ssyncset.done $0x0  }
0x195: {  	[sflag:s26] =	ssyncadd.s32 $0xFFFF8000  }
0x196: {  	_ =	swait.ge [sflag:s26], $0x2000  }
0x197: {  	[sflag:s26] =	ssyncset.done $0x0  }
0x198: {  	[sflag:s26] =	ssyncadd.s32 $0xFFFFE000  }
0x199: {  	_ =	swait.ge [sflag:s26], $0x2000  }
0x19a: {  	[sflag:s26] =	ssyncset.done $0x0  }
0x19b: {  	s0 =	simm.s32 @!p0 $0x4;
	[sflag:s26] =	ssyncadd.s32 $0xFFFFE000  }
0x19c: {  	_ =	swait.ge @!p0 [sflag:s0], $0x2000  }
0x19d: {  	[sflag:s0] =	ssyncset.done @!p0 $0x0  }
0x19e: {  	[sflag:s0] =	ssyncadd.s32 @!p0 $0xFFFFE000;
	s0 =	simm.s32 @!p0 $0x6  }
0x19f: {  	s22 =	simm.s32 $0x0;
	_ =	swait.ge @!p0 [sflag:s0], $0x2000  }
0x1a0: {  	s24 =	sand.u32 $0x40, s22;
	s1 =	sand.u32 $0x1E00, s22;
	[sflag:s0] =	ssyncset.done @!p0 $0x0  }
0x1a1: {  	s9 =	sor.u32 s24, s1;
	[sflag:s0] =	ssyncadd.s32 @!p0 $0xFFFFE000  }
0x1a2: {  	v0 =	vld [tilespmem:s9+$0x12030];
	_ =	sdelay $0x1  }
0x1a3: {  	v1 =	vld [tilespmem:s9+$0x12000]  }
0x1a4: {  	v2 =	vld [tilespmem:s9+$0x12010]  }
0x1a5: {  	s25 =	simm.s32 $0x100;
	s28 =	simm.s32 $0x40;
	v5 =	vld [tilespmem:s9+$0x16030]  }
0x1a6: {  	s1 =	sand.u32 $0x40, s28;
	s0 =	sand.u32 $0x1E00, s25;
	v7 =	vld [tilespmem:s9+$0x16010];
	v3 =	vshll.u32 v0, $0x2  }
0x1a7: {  	v8 =	vld [tilespmem:s9+$0x16020];
	s10 =	sor.u32 s1, s0;
	v0 =	vand.u32 $0x7F, v0;
	v3 =	vand.u32 $0xFFFFFE00, v3  }
0x1a8: {  	v9 =	vld [tilespmem:s10+$0x12000];
	v0 =	vor.u32 v0, v3  }
0x1a9: {  	v12 =	vld [tilespmem:s10+$0x12010];
	v4 =	vshll.u32 v1, $0x2  }
0x1aa: {  	v1 =	vand.u32 $0x7F, v1;
	v6 =	vshll.u32 v2, $0x2;
	v4 =	vand.u32 $0xFFFFFE00, v4;
	v3 =	vld [tilespmem:s9+$0x12020]  }
0x1ab: {  	v2 =	vand.u32 $0x7F, v2;
	v6 =	vand.u32 $0xFFFFFE00, v6;
	v1 =	vor.u32 v1, v4;
	v4 =	vld [tilespmem:s9+$0x16000]  }
0x1ac: {  	v14 =	vld [tilespmem:s10+$0x16030];
	v2 =	vor.u32 v2, v6;
	v6 =	vshll.u32 v5, $0x2  }
0x1ad: {  	s30 =	simm.s32 $0x80;
	s29 =	simm.s32 $0x200;
	v13 =	vshll.u32 v9, $0x2;
	v5 =	vand.u32 $0x7F, v5;
	v6 =	vand.u32 $0xFFFFFE00, v6;
	v0 =	vld.idx.msk [tilespmem:v0+s20+$0x0], $0xffff  }
0x1ae: {  	s1 =	sand.u32 $0x40, s30;
	s0 =	sand.u32 $0x1E00, s29;
	v9 =	vand.u32 $0x7F, v9;
	v13 =	vand.u32 $0xFFFFFE00, v13;
	v5 =	vor.u32 v5, v6;
	v6 =	vld [tilespmem:s10+$0x12030]  }
0x1af: {  	v15 =	vld [tilespmem:s10+$0x16010];
	s15 =	sor.u32 s1, s0;
	v9 =	vor.u32 v9, v13  }
0x1b0: {  	v21 =	vld [tilespmem:s15+$0x16030];
	v10 =	vshll.u32 v3, $0x2;
	v11 =	vshll.u32 v4, $0x2;
	v3 =	vand.u32 $0x7F, v3  }
0x1b1: {  	v13 =	vld [tilespmem:s15+$0x12000];
	v4 =	vand.u32 $0x7F, v4;
	v10 =	vand.u32 $0xFFFFFE00, v10;
	v11 =	vand.u32 $0xFFFFFE00, v11  }
0x1b2: {  	v1 =	vld.idx.msk [tilespmem:v1+s20+$0x0], $0xffff;
	v3 =	vor.u32 v3, v10;
	v4 =	vor.u32 v4, v11;
	[tilespmem:s9+$0x1A030] =	vst v0;
	v0 =	vshll.u32 v7, $0x2  }
0x1b3: {  	v2 =	vld.idx.msk [tilespmem:v2+s20+$0x0], $0xffff;
	v11 =	vshll.u32 v6, $0x2;
	v7 =	vand.u32 $0x7F, v7;
	v0 =	vand.u32 $0xFFFFFE00, v0  }
0x1b4: {  	v9 =	vld.idx.msk [tilespmem:v9+s20+$0x0], $0xffff;
	v6 =	vand.u32 $0x7F, v6;
	v11 =	vand.u32 $0xFFFFFE00, v11;
	v0 =	vor.u32 v7, v0  }
0x1b5: {  	v10 =	vld [tilespmem:s10+$0x12020];
	v6 =	vor.u32 v6, v11  }
0x1b6: {  	v16 =	vshll.u32 v12, $0x2;
	v7 =	vld [tilespmem:s10+$0x16000]  }
0x1b7: {  	v11 =	vand.u32 $0x7F, v12;
	v12 =	vand.u32 $0xFFFFFE00, v16;
	[tilespmem:s9+$0x1A000] =	vst v1;
	v1 =	vld.idx.msk [tilespmem:v3+s20+$0x0], $0xffff  }
0x1b8: {  	[tilespmem:s9+$0x1A010] =	vst v2;
	v3 =	vor.u32 v11, v12;
	v11 =	vld.idx.msk [tilespmem:v4+s20+$0x0], $0xffff  }
0x1b9: {  	v12 =	vld.idx.msk [tilespmem:v0+s20+$0x0], $0xffff;
	v0 =	vshll.u32 v14, $0x2  }
0x1ba: {  	v4 =	vand.u32 $0x7F, v14;
	v2 =	vld.idx.msk [tilespmem:v6+s20+$0x0], $0xffff;
	v0 =	vand.u32 $0xFFFFFE00, v0  }
0x1bb: {  	v16 =	vld [tilespmem:s10+$0x16020];
	v0 =	vor.u32 v4, v0  }
0x1bc: {  	v19 =	vshll.u32 v13, $0x2;
	v5 =	vld.idx.msk [tilespmem:v5+s20+$0x0], $0xffff;
	v6 =	vshll.u32 v8, $0x2;
	v14 =	vshll.u32 v15, $0x2  }
0x1bd: {  	v4 =	vand.u32 $0xFFFFFE00, v6;
	v6 =	vand.u32 $0x7F, v8;
	v8 =	vld.idx.msk [tilespmem:v3+s20+$0x0], $0xffff;
	v3 =	vshll.u32 v10, $0x2  }
0x1be: {  	v10 =	vand.u32 $0x7F, v10;
	v17 =	vor.u32 v6, v4;
	v6 =	vld [tilespmem:s15+$0x12030];
	v3 =	vand.u32 $0xFFFFFE00, v3  }
0x1bf: {  	[tilespmem:s10+$0x1A030] =	vst v2;
	v4 =	vshll.u32 v7, $0x2;
	v10 =	vor.u32 v10, v3;
	v3 =	vand.u32 $0x7F, v7;
	v7 =	vld [tilespmem:s15+$0x12010]  }
0x1c0: {  	v2 =	vand.u32 $0xFFFFFE00, v14;
	v14 =	vshll.u32 v16, $0x2;
	v4 =	vand.u32 $0xFFFFFE00, v4;
	v18 =	vld.idx.msk [tilespmem:v0+s20+$0x0], $0xffff  }
0x1c1: {  	[tilespmem:s9+$0x1E030] =	vst v5;
	v5 =	vand.u32 $0xFFFFFE00, v19;
	v0 =	vand.u32 $0xFFFFFE00, v14;
	v14 =	vor.u32 v3, v4;
	v4 =	vld [tilespmem:s15+$0x12020]  }
0x1c2: {  	v15 =	vand.u32 $0x7F, v15;
	[tilespmem:s9+$0x1A020] =	vst v1;
	v1 =	vand.u32 $0x7F, v13;
	v3 =	vand.u32 $0x7F, v16;
	v16 =	vld [tilespmem:s15+$0x16000]  }
0x1c3: {  	v15 =	vor.u32 v15, v2;
	v0 =	vor.u32 v3, v0;
	v3 =	vshll.u32 v6, $0x2  }
0x1c4: {  	v2 =	vld [tilespmem:s15+$0x16010];
	v6 =	vand.u32 $0x7F, v6;
	v3 =	vand.u32 $0xFFFFFE00, v3;
	v19 =	vshll.u32 v7, $0x2  }
0x1c5: {  	v20 =	vor.u32 v6, v3;
	v6 =	vand.u32 $0x7F, v7;
	v13 =	vand.u32 $0xFFFFFE00, v19;
	v3 =	vld [tilespmem:s15+$0x16020]  }
0x1c6: {  	[tilespmem:s10+$0x1A000] =	vst v9;
	v7 =	vor.u32 v1, v5;
	v1 =	vand.u32 $0x7F, v4;
	v5 =	vshll.u32 v4, $0x2;
	v4 =	vld.idx.msk [tilespmem:v10+s20+$0x0], $0xffff  }
0x1c7: {  	[tilespmem:s10+$0x1A010] =	vst v8;
	v8 =	vor.u32 v6, v13;
	v9 =	vshll.u32 v16, $0x2;
	v6 =	vld.idx.msk [tilespmem:v14+s20+$0x0], $0xffff;
	v10 =	vshll.u32 v21, $0x2  }
0x1c8: {  	s8 =	sshll.u32 s19, $0xB;
	[tilespmem:s9+$0x1E000] =	vst v11;
	v13 =	vand.u32 $0x7F, v16;
	v5 =	vand.u32 $0xFFFFFE00, v5;
	v16 =	vand.u32 $0xFFFFFE00, v10;
	v10 =	vld.idx.msk [tilespmem:v17+s20+$0x0], $0xffff  }
0x1c9: {  	s18 =	simm.s32 $0x8;
	s21 =	simm.s32 $0x300;
	s22 =	simm.s32 $0xC0;
	[tilespmem:s9+$0x1E010] =	vst v12;
	v11 =	vand.u32 $0xFFFFFE00, v9;
	v9 =	vshll.u32 v2, $0x2;
	v1 =	vor.u32 v1, v5;
	v5 =	vld.idx.msk [tilespmem:v15+s20+$0x0], $0xffff  }
0x1ca: {  	s5 =	smov.u32 s9;
	s0 =	smov.u32 s10;
	s1 =	smov.u32 s15;
	[tilespmem:s10+$0x1E030] =	vst v18;
	v12 =	vand.u32 $0xFFFFFE00, v9;
	v15 =	vand.u32 $0x7F, v21;
	v9 =	vld.idx.msk [tilespmem:v20+s20+$0x0], $0xffff;
	v14 =	vshll.u32 v3, $0x2  }
.LBB2_23:
0x1cb: {  	s2 =	sand.u32 $0x40, s22;
	s3 =	sand.u32 $0x1E00, s21;
	s18 =	sadd.s32 $0x4, s18;
	v7 =	vld.idx.msk [tilespmem:v7+s20+$0x0], $0xffff;
	v2 =	vand.u32 $0x7F, v2;
	v14 =	vand.u32 $0xFFFFFE00, v14;
	v15 =	vor.u32 v15, v16  }
0x1cc: {  	v11 =	vor.u32 v13, v11;
	s2 =	sor.u32 s2, s3;
	p0 =	slt.u32 s18, $0x7C;
	v8 =	vld.idx.msk [tilespmem:v8+s20+$0x0], $0xffff;
	v12 =	vor.u32 v2, v12;
	v2 =	vand.u32 $0x7F, v3;
	[tilespmem:s0+$0x1A020] =	vst v4  }
0x1cd: {  	v3 =	vld [tilespmem:s2+$0x12030];
	v17 =	vor.u32 v2, v14;
	[tilespmem:s0+$0x1E000] =	vst v6  }
0x1ce: {  	v4 =	vld [tilespmem:s2+$0x12000];
	[tilespmem:s0+$0x1E010] =	vst v5  }
0x1cf: {  	v5 =	vld [tilespmem:s2+$0x12010];
	[tilespmem:s1+$0x1A030] =	vst v9  }
0x1d0: {  	v6 =	vld.idx.msk [tilespmem:v15+s20+$0x0], $0xffff;
	[tilespmem:s5+$0x1E020] =	vst v10;
	s5 =	smov.u32 s0;
	s0 =	smov.u32 s1;
	s1 =	smov.u32 s2  }
0x1d1: {  	v9 =	vld [tilespmem:s1+$0x12020];
	[tilespmem:s0+$0x1A000] =	vst v7  }
0x1d2: {  	v10 =	vld [tilespmem:s1+$0x16000];
	v7 =	vshll.u32 v3, $0x2;
	[tilespmem:s0+$0x1A010] =	vst v8  }
0x1d3: {  	v3 =	vand.u32 $0x7F, v3;
	v8 =	vshll.u32 v4, $0x2;
	v2 =	vld [tilespmem:s1+$0x16010];
	v7 =	vand.u32 $0xFFFFFE00, v7  }
0x1d4: {  	v8 =	vand.u32 $0xFFFFFE00, v8;
	v13 =	vshll.u32 v5, $0x2;
	v14 =	vor.u32 v3, v7;
	v15 =	vld [tilespmem:s1+$0x16030]  }
0x1d5: {  	v4 =	vand.u32 $0x7F, v4;
	v5 =	vand.u32 $0x7F, v5;
	v13 =	vand.u32 $0xFFFFFE00, v13;
	v3 =	vld [tilespmem:s1+$0x16020]  }
.Ltmp12:
0x1d6: {  	v7 =	vor.u32 v4, v8;
	v16 =	vand.u32 $0x7F, v9;
	v9 =	vshll.u32 v9, $0x2;
	v4 =	vld.idx.msk [tilespmem:v1+s20+$0x0], $0xffff;
	[tilespmem:s0+$0x1E030] =	vst v6;
	(pc) =	sbr.rel @p0 .LBB2_23-.Ltmp12, $4  }
0x1d7: {  	v8 =	vor.u32 v5, v13;
	v1 =	vshll.u32 v10, $0x2;
	v5 =	vand.u32 $0xFFFFFE00, v9;
	v6 =	vld.idx.msk [tilespmem:v11+s20+$0x0], $0xffff  }
0x1d8: {  	v11 =	vand.u32 $0xFFFFFE00, v1;
	v9 =	vshll.u32 v2, $0x2;
	v1 =	vor.u32 v16, v5;
	v5 =	vld.idx.msk [tilespmem:v12+s20+$0x0], $0xffff  }
0x1d9: {  	v13 =	vand.u32 $0x7F, v10;
	v12 =	vand.u32 $0xFFFFFE00, v9;
	v9 =	vld.idx.msk [tilespmem:v14+s20+$0x0], $0xffff;
	v10 =	vshll.u32 v15, $0x2  }
0x1da: {  	s21 =	sadd.s32 $0x100, s21;
	s22 =	sadd.s32 $0x40, s22;
	v15 =	vand.u32 $0x7F, v15;
	v14 =	vshll.u32 v3, $0x2;
	v16 =	vand.u32 $0xFFFFFE00, v10;
	v10 =	vld.idx.msk [tilespmem:v0+s20+$0x0], $0xffff;
	v0 =	vmovc v17  }
0x1db: {  	_ =	sdelay $0x3  }
0x1dc: {  	v7 =	vld.idx.msk [tilespmem:v7+s20+$0x0], $0xffff;
	v15 =	vor.u32 v15, v16  }
0x1dd: {  	v2 =	vand.u32 $0x7F, v2;
	v11 =	vor.u32 v13, v11;
	v8 =	vld.idx.msk [tilespmem:v8+s20+$0x0], $0xffff;
	[tilespmem:s0+$0x1A020] =	vst v4  }
0x1de: {  	v4 =	vand.u32 $0xFFFFFE00, v14;
	v3 =	vand.u32 $0x7F, v3;
	v1 =	vld.idx.msk [tilespmem:v1+s20+$0x0], $0xffff;
	v2 =	vor.u32 v2, v12;
	[tilespmem:s0+$0x1E000] =	vst v6  }
0x1df: {  	v3 =	vor.u32 v3, v4;
	[tilespmem:s0+$0x1E010] =	vst v5  }
0x1e0: {  	v0 =	vld.idx.msk [tilespmem:v0+s20+$0x0], $0xffff;
	[tilespmem:s1+$0x1A030] =	vst v9  }
0x1e1: {  	v4 =	vld.idx.msk [tilespmem:v15+s20+$0x0], $0xffff;
	[tilespmem:s1+$0x1A000] =	vst v7  }
0x1e2: {  	[tilespmem:s1+$0x1A010] =	vst v8;
	v6 =	vld.idx.msk [tilespmem:v11+s20+$0x0], $0xffff  }
0x1e3: {  	[tilespmem:s1+$0x1A020] =	vst v1;
	v2 =	vld.idx.msk [tilespmem:v2+s20+$0x0], $0xffff  }
0x1e4: {  	[tilespmem:s5+$0x1E020] =	vst v10;
	v1 =	vld.idx.msk [tilespmem:v3+s20+$0x0], $0xffff  }
0x1e5: {  	[tilespmem:s0+$0x1E020] =	vst v0  }
0x1e6: {  	[tilespmem:s1+$0x1E030] =	vst v4  }
0x1e7: {  	[tilespmem:s1+$0x1E000] =	vst v6  }
0x1e8: {  	[tilespmem:s1+$0x1E010] =	vst v2  }
0x1e9: {  	[tilespmem:s1+$0x1E020] =	vst v1  }
0x1ea: {  	v0 =	vld [tilespmem:s9+$0x120B0]  }
0x1eb: {  	v1 =	vld [tilespmem:s9+$0x12080]  }
0x1ec: {  	v2 =	vld [tilespmem:s9+$0x12090]  }
0x1ed: {  	v3 =	vld [tilespmem:s9+$0x120A0]  }
0x1ee: {  	v10 =	vld [tilespmem:s9+$0x160A0];
	_ =	sdelay $0x2  }
0x1ef: {  	v5 =	vld [tilespmem:s9+$0x160B0];
	v4 =	vshll.u32 v0, $0x2;
	v0 =	vand.u32 $0x7F, v0;
	v6 =	vshll.u32 v1, $0x2  }
0x1f0: {  	v7 =	vshll.u32 v2, $0x2;
	v9 =	vshll.u32 v3, $0x2;
	v1 =	vand.u32 $0x7F, v1  }
0x1f1: {  	v8 =	vld [tilespmem:s9+$0x16090];
	v2 =	vand.u32 $0x7F, v2;
	v3 =	vand.u32 $0x7F, v3;
	v11 =	vshll.u32 v10, $0x2  }
0x1f2: {  	v13 =	vld [tilespmem:s10+$0x12090];
	v10 =	vand.u32 $0x7F, v10;
	v4 =	vand.u32 $0xFFFFFE00, v4;
	v6 =	vand.u32 $0xFFFFFE00, v6  }
0x1f3: {  	v20 =	vld [tilespmem:s15+$0x12090];
	v7 =	vand.u32 $0xFFFFFE00, v7;
	v0 =	vor.u32 v4, v0;
	v1 =	vor.u32 v6, v1  }
0x1f4: {  	v0 =	vor.u32 $0x80, v0;
	v6 =	vor.u32 $0x80, v1;
	v1 =	vshll.u32 v5, $0x2  }
0x1f5: {  	v4 =	vld [tilespmem:s9+$0x16080];
	v2 =	vor.u32 v7, v2;
	v5 =	vand.u32 $0x7F, v5;
	v1 =	vand.u32 $0xFFFFFE00, v1  }
0x1f6: {  	v12 =	vld [tilespmem:s10+$0x12080];
	v2 =	vor.u32 $0x80, v2;
	v1 =	vor.u32 v1, v5;
	v5 =	vshll.u32 v8, $0x2  }
0x1f7: {  	v15 =	vshll.u32 v13, $0x2;
	v7 =	vld [tilespmem:s10+$0x120B0];
	v8 =	vand.u32 $0x7F, v8;
	v5 =	vand.u32 $0xFFFFFE00, v5  }
0x1f8: {  	v13 =	vand.u32 $0x7F, v13;
	v22 =	vshll.u32 v20, $0x2;
	v5 =	vor.u32 v5, v8;
	v8 =	vld [tilespmem:s10+$0x160B0]  }
0x1f9: {  	v9 =	vand.u32 $0xFFFFFE00, v9;
	v11 =	vand.u32 $0xFFFFFE00, v11;
	v15 =	vand.u32 $0xFFFFFE00, v15;
	v0 =	vld.idx.msk [tilespmem:v0+s20+$0x0], $0xffff  }
0x1fa: {  	v23 =	vld [tilespmem:s15+$0x160B0];
	v3 =	vor.u32 v9, v3;
	v1 =	vor.u32 $0x80, v1;
	v9 =	vshll.u32 v4, $0x2  }
0x1fb: {  	v22 =	vand.u32 $0xFFFFFE00, v22;
	v4 =	vand.u32 $0x7F, v4;
	v9 =	vand.u32 $0xFFFFFE00, v9;
	v19 =	vld.idx.msk [tilespmem:v2+s20+$0x0], $0xffff  }
0x1fc: {  	v10 =	vor.u32 v11, v10;
	v3 =	vor.u32 $0x80, v3;
	v18 =	vld.idx.msk [tilespmem:v6+s20+$0x0], $0xffff;
	v4 =	vor.u32 v9, v4  }
0x1fd: {  	v14 =	vshll.u32 v7, $0x2;
	v9 =	vld [tilespmem:s10+$0x120A0];
	v11 =	vor.u32 $0x80, v4;
	v6 =	vshll.u32 v8, $0x2  }
0x1fe: {  	v2 =	vand.u32 $0x7F, v8;
	[tilespmem:s9+$0x1A0B0] =	vst v0;
	v0 =	vand.u32 $0x7F, v7;
	v7 =	vand.u32 $0xFFFFFE00, v14  }
0x1ff: {  	v8 =	vor.u32 v15, v13;
	v6 =	vand.u32 $0xFFFFFE00, v6;
	v4 =	vld.idx.msk [tilespmem:v1+s20+$0x0], $0xffff;
	v1 =	vor.u32 v7, v0  }
0x200: {  	v17 =	vld [tilespmem:s10+$0x160A0];
	v8 =	vor.u32 $0x80, v8;
	[tilespmem:s9+$0x1A090] =	vst v19;
	v19 =	vshll.u32 v23, $0x2;
	v14 =	vor.u32 $0x80, v1  }
0x201: {  	[tilespmem:s9+$0x1A080] =	vst v18;
	v18 =	vand.u32 $0x7F, v23;
	v0 =	vor.u32 $0x80, v5;
	v5 =	vld [tilespmem:s10+$0x16080];
	v7 =	vshll.u32 v12, $0x2  }
0x202: {  	v16 =	vshll.u32 v9, $0x2;
	v12 =	vand.u32 $0x7F, v12;
	v1 =	vor.u32 $0x80, v10;
	v10 =	vld [tilespmem:s10+$0x16090]  }
0x203: {  	v9 =	vand.u32 $0x7F, v9;
	v7 =	vand.u32 $0xFFFFFE00, v7;
	v16 =	vand.u32 $0xFFFFFE00, v16  }
0x204: {  	v2 =	vor.u32 v6, v2;
	v7 =	vor.u32 v7, v12;
	v6 =	vor.u32 v16, v9;
	v9 =	vld [tilespmem:s15+$0x120B0]  }
0x205: {  	v16 =	vshll.u32 v17, $0x2;
	v13 =	vor.u32 $0x80, v7;
	v7 =	vor.u32 $0x80, v2;
	v12 =	vld.idx.msk [tilespmem:v14+s20+$0x0], $0xffff  }
0x206: {  	v15 =	vor.u32 $0x80, v6;
	v6 =	vld [tilespmem:s15+$0x12080];
	v2 =	vshll.u32 v5, $0x2;
	v5 =	vand.u32 $0x7F, v5  }
0x207: {  	v21 =	vld.idx.msk [tilespmem:v3+s20+$0x0], $0xffff;
	v14 =	vshll.u32 v10, $0x2;
	v2 =	vand.u32 $0xFFFFFE00, v2;
	v10 =	vand.u32 $0x7F, v10  }
0x208: {  	v11 =	vld.idx.msk [tilespmem:v11+s20+$0x0], $0xffff;
	v3 =	vand.u32 $0xFFFFFE00, v14;
	v14 =	vand.u32 $0xFFFFFE00, v16;
	v16 =	vand.u32 $0x7F, v17  }
0x209: {  	v2 =	vor.u32 v2, v5;
	v5 =	vld [tilespmem:s15+$0x120A0];
	v3 =	vor.u32 v3, v10;
	v10 =	vshll.u32 v9, $0x2  }
0x20a: {  	v10 =	vand.u32 $0xFFFFFE00, v10;
	[tilespmem:s10+$0x1A0B0] =	vst v12;
	v12 =	vor.u32 v14, v16;
	v16 =	vand.u32 $0x7F, v9;
	v9 =	vld [tilespmem:s15+$0x16090]  }
0x20b: {  	v19 =	vand.u32 $0xFFFFFE00, v19;
	v14 =	vshll.u32 v6, $0x2;
	v17 =	vld.idx.msk [tilespmem:v7+s20+$0x0], $0xffff;
	v16 =	vor.u32 v10, v16  }
0x20c: {  	v6 =	vand.u32 $0x7F, v6;
	v7 =	vld [tilespmem:s15+$0x16080];
	v14 =	vand.u32 $0xFFFFFE00, v14;
	v25 =	vor.u32 $0x80, v16  }
0x20d: {  	v2 =	vor.u32 $0x80, v2;
	v10 =	vld [tilespmem:s15+$0x160A0];
	v24 =	vor.u32 v14, v6;
	v14 =	vand.u32 $0x7F, v20  }
0x20e: {  	[tilespmem:s9+$0x1E0B0] =	vst v4;
	v6 =	vor.u32 $0x80, v3;
	v16 =	vshll.u32 v5, $0x2;
	v4 =	vor.u32 v22, v14;
	v14 =	vld.idx.msk [tilespmem:v13+s20+$0x0], $0xffff  }
0x20f: {  	v3 =	vor.u32 $0x80, v12;
	v5 =	vand.u32 $0x7F, v5;
	v12 =	vld.idx.msk [tilespmem:v8+s20+$0x0], $0xffff;
	v13 =	vand.u32 $0xFFFFFE00, v16  }
0x210: {  	[tilespmem:s9+$0x1A0A0] =	vst v21;
	v8 =	vor.u32 $0x80, v24;
	v4 =	vor.u32 $0x80, v4;
	v5 =	vor.u32 v13, v5;
	v13 =	vld.idx.msk [tilespmem:v15+s20+$0x0], $0xffff  }
0x211: {  	s5 =	simm.s32 $0xC0;
	s0 =	simm.s32 $0x8;
	s1 =	simm.s32 $0x300;
	v5 =	vor.u32 $0x80, v5;
	v16 =	vshll.u32 v7, $0x2;
	[tilespmem:s10+$0x1E0B0] =	vst v17;
	v17 =	vshll.u32 v9, $0x2;
	v15 =	vld.idx.msk [tilespmem:v25+s20+$0x0], $0xffff  }
.LBB2_25:
0x212: {  	s2 =	sand.u32 $0x40, s5;
	s3 =	sand.u32 $0x1E00, s1;
	s0 =	sadd.s32 $0x4, s0;
	v16 =	vand.u32 $0xFFFFFE00, v16;
	v20 =	vshll.u32 v10, $0x2;
	v18 =	vor.u32 v19, v18;
	v19 =	vld.idx.msk [tilespmem:v0+s20+$0x0], $0xffff;
	v0 =	vmovc v6  }
0x213: {  	v6 =	vand.u32 $0xFFFFFE00, v17;
	s2 =	sor.u32 s2, s3;
	p0 =	slt.u32 s0, $0x7C;
	v17 =	vand.u32 $0xFFFFFE00, v20;
	v18 =	vor.u32 $0x80, v18;
	[tilespmem:s10+$0x1A080] =	vst v14;
	v14 =	vld.idx.msk [tilespmem:v1+s20+$0x0], $0xffff;
	v1 =	vmovc v3  }
0x214: {  	v3 =	vand.u32 $0x7F, v7;
	v7 =	vand.u32 $0x7F, v9;
	v9 =	vand.u32 $0x7F, v10;
	v20 =	vld [tilespmem:s2+$0x120B0];
	[tilespmem:s10+$0x1A090] =	vst v12  }
0x215: {  	v3 =	vor.u32 v16, v3;
	v6 =	vor.u32 v6, v7;
	v7 =	vor.u32 v17, v9;
	v12 =	vld [tilespmem:s2+$0x12080];
	[tilespmem:s10+$0x1A0A0] =	vst v13  }
0x216: {  	v17 =	vor.u32 $0x80, v3;
	v6 =	vor.u32 $0x80, v6;
	v3 =	vor.u32 $0x80, v7;
	v13 =	vld [tilespmem:s2+$0x12090];
	[tilespmem:s9+$0x1E080] =	vst v11  }
0x217: {  	v11 =	vld [tilespmem:s2+$0x120A0];
	[tilespmem:s15+$0x1A0B0] =	vst v15  }
0x218: {  	v15 =	vld.idx.msk [tilespmem:v18+s20+$0x0], $0xffff;
	[tilespmem:s9+$0x1E090] =	vst v19  }
0x219: {  	v7 =	vld [tilespmem:s2+$0x16080];
	v10 =	vshll.u32 v20, $0x2;
	[tilespmem:s9+$0x1E0A0] =	vst v14;
	s9 =	smov.u32 s10;
	s10 =	smov.u32 s15;
	s15 =	smov.u32 s2  }
0x21a: {  	v16 =	vand.u32 $0x7F, v20;
	v14 =	vshll.u32 v12, $0x2;
	v9 =	vld [tilespmem:s15+$0x16090];
	v10 =	vand.u32 $0xFFFFFE00, v10  }
0x21b: {  	v18 =	vand.u32 $0xFFFFFE00, v14;
	v14 =	vshll.u32 v13, $0x2;
	v16 =	vor.u32 v10, v16;
	v19 =	vld [tilespmem:s15+$0x160B0]  }
0x21c: {  	v20 =	vand.u32 $0xFFFFFE00, v14;
	v14 =	vshll.u32 v11, $0x2;
	v10 =	vld [tilespmem:s15+$0x160A0];
	v21 =	vor.u32 $0x80, v16  }
.Ltmp13:
0x21d: {  	v12 =	vand.u32 $0x7F, v12;
	v13 =	vand.u32 $0x7F, v13;
	v16 =	vand.u32 $0xFFFFFE00, v14;
	v14 =	vld.idx.msk [tilespmem:v8+s20+$0x0], $0xffff;
	(pc) =	sbr.rel @p0 .LBB2_25-.Ltmp13, $4  }
0x21e: {  	v11 =	vand.u32 $0x7F, v11;
	v8 =	vor.u32 v18, v12;
	v13 =	vor.u32 v20, v13;
	v12 =	vld.idx.msk [tilespmem:v4+s20+$0x0], $0xffff;
	[tilespmem:s10+$0x1E0B0] =	vst v15  }
0x21f: {  	v8 =	vor.u32 $0x80, v8;
	v4 =	vor.u32 $0x80, v13;
	v11 =	vor.u32 v16, v11;
	v13 =	vld.idx.msk [tilespmem:v5+s20+$0x0], $0xffff  }
0x220: {  	v16 =	vshll.u32 v7, $0x2;
	v5 =	vor.u32 $0x80, v11;
	v20 =	vshll.u32 v19, $0x2;
	v11 =	vld.idx.msk [tilespmem:v2+s20+$0x0], $0xffff;
	v2 =	vmovc v17  }
0x221: {  	s1 =	sadd.s32 $0x100, s1;
	s5 =	sadd.s32 $0x40, s5;
	v17 =	vshll.u32 v9, $0x2;
	v18 =	vand.u32 $0x7F, v19;
	v15 =	vld.idx.msk [tilespmem:v21+s20+$0x0], $0xffff;
	v19 =	vand.u32 $0xFFFFFE00, v20  }
0x222: {  	_ =	sdelay $0x3  }
0x223: {  	v0 =	vld.idx.msk [tilespmem:v0+s20+$0x0], $0xffff;
	[tilespmem:s10+$0x1A080] =	vst v14  }
0x224: {  	v18 =	vor.u32 v19, v18;
	v14 =	vand.u32 $0xFFFFFE00, v16;
	v1 =	vld.idx.msk [tilespmem:v1+s20+$0x0], $0xffff;
	v16 =	vand.u32 $0xFFFFFE00, v17;
	[tilespmem:s10+$0x1A090] =	vst v12  }
0x225: {  	v7 =	vand.u32 $0x7F, v7;
	v9 =	vand.u32 $0x7F, v9;
	v8 =	vld.idx.msk [tilespmem:v8+s20+$0x0], $0xffff;
	v18 =	vor.u32 $0x80, v18;
	[tilespmem:s10+$0x1A0A0] =	vst v13  }
0x226: {  	v4 =	vld.idx.msk [tilespmem:v4+s20+$0x0], $0xffff;
	v7 =	vor.u32 v14, v7;
	v9 =	vor.u32 v16, v9;
	[tilespmem:s15+$0x1A0B0] =	vst v15;
	v15 =	vshll.u32 v10, $0x2  }
0x227: {  	v7 =	vor.u32 $0x80, v7;
	[tilespmem:s9+$0x1E080] =	vst v11;
	v3 =	vld.idx.msk [tilespmem:v3+s20+$0x0], $0xffff;
	v10 =	vand.u32 $0x7F, v10;
	v15 =	vand.u32 $0xFFFFFE00, v15  }
0x228: {  	v9 =	vor.u32 $0x80, v9;
	[tilespmem:s9+$0x1E090] =	vst v0;
	v0 =	vld.idx.msk [tilespmem:v5+s20+$0x0], $0xffff;
	v10 =	vor.u32 v15, v10  }
0x229: {  	[tilespmem:s9+$0x1E0A0] =	vst v1;
	v1 =	vld.idx.msk [tilespmem:v2+s20+$0x0], $0xffff;
	v5 =	vor.u32 $0x80, v10  }
0x22a: {  	v2 =	vld.idx.msk [tilespmem:v6+s20+$0x0], $0xffff;
	[tilespmem:s15+$0x1A080] =	vst v8  }
0x22b: {  	[tilespmem:s15+$0x1A090] =	vst v4;
	v12 =	vld.idx.msk [tilespmem:v18+s20+$0x0], $0xffff  }
0x22c: {  	v4 =	vld.idx.msk [tilespmem:v7+s20+$0x0], $0xffff;
	[tilespmem:s10+$0x1E0A0] =	vst v3  }
0x22d: {  	[tilespmem:s15+$0x1A0A0] =	vst v0;
	v0 =	vld.idx.msk [tilespmem:v9+s20+$0x0], $0xffff  }
0x22e: {  	[tilespmem:s10+$0x1E080] =	vst v1;
	v1 =	vld.idx.msk [tilespmem:v5+s20+$0x0], $0xffff  }
0x22f: {  	p0 =	por $0x0, $0x0;
	s0 =	simm.s32 $0x1;
	[tilespmem:s10+$0x1E090] =	vst v2  }
0x230: {  	s0 =	simm.s32 @!p0 $0x0;
	[tilespmem:s15+$0x1E0B0] =	vst v12  }
0x231: {  	s0 =	sshll.u32 s0, $0x6;
	[tilespmem:s15+$0x1E080] =	vst v4  }
0x232: {  	s9 =	sadd.s32 $0x0, s0;
	[tilespmem:s15+$0x1E090] =	vst v0  }
0x233: {  	s0 =	sor.u32 $0x130, s9;
	[tilespmem:s15+$0x1E0A0] =	vst v1  }
0x234: {  	s10 =	sor.u32 $0x100, s9;
	v0 =	vld [tilespmem:s0+$0x12000]  }
0x235: {  	s30 =	sor.u32 $0x120, s9;
	v1 =	vld [tilespmem:s10+$0x12000]  }
0x236: {  	s15 =	sor.u32 $0x110, s9;
	v5 =	vld [tilespmem:s30+$0x12000]  }
0x237: {  	v4 =	vld [tilespmem:s15+$0x12000];
	_ =	sdelay $0x2  }
0x238: {  	v2 =	vshll.u32 v0, $0x2  }
0x239: {  	p2 =	por $0x1, $0x1;
	v3 =	vshll.u32 v1, $0x2;
	v0 =	vand.u32 $0x7F, v0;
	v8 =	vshll.u32 v5, $0x2  }
.Ltmp14:
0x23a: {  	v2 =	vand.u32 $0xFFFFFE00, v2;
	v6 =	vand.u32 $0xFFFFFE00, v3;
	v3 =	vshll.u32 v4, $0x2;
	(pc) =	sbr.rel @!p2 .LBB2_27-.Ltmp14, $4  }
0x23b: {  	v11 =	vld [tilespmem:s0+$0x16000];
	v5 =	vand.u32 $0x7F, v5;
	v0 =	vor.u32 v2, v0;
	v7 =	vand.u32 $0xFFFFFE00, v3  }
0x23c: {  	v2 =	vld [tilespmem:s10+$0x16000];
	v12 =	vor.u32 $0x100, v0;
	v0 =	vand.u32 $0x7F, v1;
	v1 =	vand.u32 $0x7F, v4  }
0x23d: {  	v3 =	vld [tilespmem:s15+$0x16000];
	v4 =	vand.u32 $0xFFFFFE00, v8;
	v0 =	vor.u32 v6, v0;
	v6 =	vor.u32 v7, v1  }
0x23e: {  	p1 =	por !p0, !p0;
	v7 =	vld [tilespmem:s30+$0x16000];
	v15 =	vor.u32 v4, v5;
	v1 =	vor.u32 $0x100, v0;
	v0 =	vor.u32 $0x100, v6  }
0x23f: {  	s1 =	simm.s32 $0x1  }
0x240: {  	s1 =	simm.s32 @!p1 $0x0  }
0x241: {  	v4 =	vshll.u32 v11, $0x2;
	s1 =	sshll.u32 s1, $0x6  }
0x242: {  	v5 =	vand.u32 $0x7F, v11;
	v4 =	vand.u32 $0xFFFFFE00, v4;
	s2 =	sadd.s32 $0x100, s1  }
0x243: {  	v6 =	vld.idx.msk [tilespmem:v12+s20+$0x0], $0xffff;
	v10 =	vor.u32 $0x100, v15;
	v4 =	vor.u32 v4, v5;
	s25 =	sor.u32 $0x130, s2  }
0x244: {  	v5 =	vshll.u32 v2, $0x2;
	v4 =	vor.u32 $0x100, v4;
	s1 =	sor.u32 $0x100, s2;
	v8 =	vld [tilespmem:s25+$0x12000]  }
0x245: {  	v9 =	vshll.u32 v3, $0x2;
	v2 =	vand.u32 $0x7F, v2;
	v3 =	vand.u32 $0x7F, v3;
	s5 =	sor.u32 $0x110, s2;
	v13 =	vld [tilespmem:s1+$0x12000]  }
0x246: {  	v5 =	vand.u32 $0xFFFFFE00, v5;
	v11 =	vshll.u32 v7, $0x2;
	v9 =	vand.u32 $0xFFFFFE00, v9;
	s18 =	sor.u32 $0x120, s2;
	v14 =	vld [tilespmem:s5+$0x12000]  }
0x247: {  	v7 =	vand.u32 $0x7F, v7;
	v11 =	vand.u32 $0xFFFFFE00, v11;
	v2 =	vor.u32 v5, v2;
	v15 =	vld [tilespmem:s18+$0x12000]  }
0x248: {  	[tilespmem:s0+$0x1A000] =	vst v6;
	v3 =	vor.u32 v9, v3;
	v10 =	vld.idx.msk [tilespmem:v10+s20+$0x0], $0xffff;
	v5 =	vor.u32 v11, v7;
	v6 =	vor.u32 $0x100, v2  }
0x249: {  	v5 =	vor.u32 $0x100, v5;
	v16 =	vld.idx.msk [tilespmem:v4+s20+$0x0], $0xffff;
	v4 =	vor.u32 $0x100, v3;
	v7 =	vshll.u32 v8, $0x2  }
0x24a: {  	p5 =	por $0x1, $0x1;
	v2 =	vld [tilespmem:s1+$0x16000];
	v9 =	vshll.u32 v13, $0x2;
	v8 =	vand.u32 $0x7F, v8;
	v7 =	vand.u32 $0xFFFFFE00, v7  }
.Ltmp15:
0x24b: {  	v11 =	vld [tilespmem:s25+$0x16000];
	v17 =	vand.u32 $0xFFFFFE00, v9;
	v9 =	vshll.u32 v14, $0x2;
	v8 =	vor.u32 v7, v8;
	(pc) =	sbr.rel @!p5 .LBB2_29-.Ltmp15, $4  }
0x24c: {  	v3 =	vld [tilespmem:s5+$0x16000];
	v18 =	vand.u32 $0xFFFFFE00, v9;
	v9 =	vshll.u32 v15, $0x2;
	v15 =	vand.u32 $0x7F, v15  }
0x24d: {  	v7 =	vld [tilespmem:s18+$0x16000];
	v12 =	vor.u32 $0x100, v8;
	v8 =	vand.u32 $0x7F, v13;
	v13 =	vand.u32 $0x7F, v14  }
0x24e: {  	v14 =	vand.u32 $0xFFFFFE00, v9;
	v9 =	vld.idx.msk [tilespmem:v1+s20+$0x0], $0xffff;
	v1 =	vor.u32 v17, v8;
	v13 =	vor.u32 v18, v13  }
0x24f: {  	p4 =	por !p1, !p1;
	p3 =	por $0x1, $0x1;
	v8 =	vld.idx.msk [tilespmem:v0+s20+$0x0], $0xffff;
	[tilespmem:s0+$0x1E000] =	vst v16;
	v15 =	vor.u32 v14, v15;
	v1 =	vor.u32 $0x100, v1;
	v0 =	vor.u32 $0x100, v13  }
0x250: {  	s0 =	simm.s32 $0x1  }
0x251: {  	s0 =	simm.s32 @!p4 $0x0  }
0x252: {  	s0 =	sshll.u32 s0, $0x6  }
0x253: {  	s2 =	sadd.s32 $0x200, s0  }
0x254: {  	v13 =	vshll.u32 v11, $0x2;
	v12 =	vld.idx.msk [tilespmem:v12+s20+$0x0], $0xffff;
	s0 =	sor.u32 $0x130, s2  }
0x255: {  	v11 =	vand.u32 $0x7F, v11;
	v17 =	vor.u32 $0x100, v15;
	v13 =	vand.u32 $0xFFFFFE00, v13;
	s21 =	sor.u32 $0x100, s2;
	v15 =	vld [tilespmem:s0+$0x12000]  }
0x256: {  	v11 =	vor.u32 v13, v11;
	s22 =	sor.u32 $0x110, s2;
	v18 =	vld [tilespmem:s21+$0x12000]  }
0x257: {  	v14 =	vshll.u32 v3, $0x2;
	v3 =	vand.u32 $0x7F, v3;
	v11 =	vor.u32 $0x100, v11;
	s24 =	sor.u32 $0x120, s2;
	v19 =	vld [tilespmem:s22+$0x12000]  }
0x258: {  	v13 =	vshll.u32 v2, $0x2;
	v16 =	vshll.u32 v7, $0x2;
	v14 =	vand.u32 $0xFFFFFE00, v14;
	v20 =	vld [tilespmem:s24+$0x12000]  }
0x259: {  	v2 =	vand.u32 $0x7F, v2;
	v7 =	vand.u32 $0x7F, v7;
	v13 =	vand.u32 $0xFFFFFE00, v13  }
0x25a: {  	v16 =	vand.u32 $0xFFFFFE00, v16;
	v3 =	vor.u32 v14, v3;
	v2 =	vor.u32 v13, v2  }
0x25b: {  	v7 =	vor.u32 v16, v7;
	v14 =	vor.u32 $0x100, v3;
	[tilespmem:s25+$0x1A000] =	vst v12;
	v16 =	vor.u32 $0x100, v2;
	v2 =	vld [tilespmem:s21+$0x16000]  }
0x25c: {  	v13 =	vor.u32 $0x100, v7;
	v21 =	vld.idx.msk [tilespmem:v11+s20+$0x0], $0xffff;
	v7 =	vshll.u32 v15, $0x2;
	v11 =	vshll.u32 v18, $0x2  }
0x25d: {  	p6 =	por $0x1, $0x1;
	[tilespmem:s10+$0x1A000] =	vst v9;
	v3 =	vld [tilespmem:s22+$0x16000];
	v12 =	vand.u32 $0x7F, v15;
	v22 =	vshll.u32 v19, $0x2;
	v9 =	vshll.u32 v20, $0x2  }
.Ltmp16:
0x25e: {  	[tilespmem:s15+$0x1A000] =	vst v8;
	v8 =	vand.u32 $0x7F, v18;
	v7 =	vand.u32 $0xFFFFFE00, v7;
	v15 =	vand.u32 $0xFFFFFE00, v11;
	v11 =	vld [tilespmem:s0+$0x16000];
	(pc) =	sbr.rel @!p6 .LBB2_31-.Ltmp16, $4  }
0x25f: {  	v18 =	vand.u32 $0x7F, v19;
	v19 =	vand.u32 $0xFFFFFE00, v9;
	v9 =	vld.idx.msk [tilespmem:v1+s20+$0x0], $0xffff;
	v12 =	vor.u32 v7, v12  }
0x260: {  	v22 =	vand.u32 $0xFFFFFE00, v22;
	v7 =	vld [tilespmem:s24+$0x16000];
	v12 =	vor.u32 $0x100, v12  }
0x261: {  	[tilespmem:s30+$0x1A000] =	vst v10;
	s28 =	simm.s32 $0x8;
	v1 =	vor.u32 v15, v8;
	v10 =	vor.u32 v22, v18;
	v15 =	vand.u32 $0x7F, v20;
	v8 =	vld.idx.msk [tilespmem:v0+s20+$0x0], $0xffff  }
0x262: {  	s29 =	simm.s32 $0x200;
	p5 =	por !p4, !p4;
	p4 =	por $0x1, $0x1;
	[tilespmem:s25+$0x1E000] =	vst v21;
	v1 =	vor.u32 $0x100, v1;
	v0 =	vor.u32 $0x100, v10;
	v15 =	vor.u32 v19, v15;
	v10 =	vld.idx.msk [tilespmem:v17+s20+$0x0], $0xffff  }
.LBB2_32:
0x263: {  	s2 =	simm.s32 $0x1  }
0x264: {  	s28 =	sadd.s32 $0x4, s28;
	v17 =	vshll.u32 v2, $0x2;
	v18 =	vor.u32 $0x100, v15;
	v15 =	vshll.u32 v11, $0x2;
	v19 =	vld.idx.msk [tilespmem:v6+s20+$0x0], $0xffff;
	v6 =	vmovc v16;
	s2 =	simm.s32 @!p5 $0x0  }
0x265: {  	v16 =	vshll.u32 v3, $0x2;
	v11 =	vand.u32 $0x7F, v11;
	s29 =	sadd.s32 $0x100, s29;
	p6 =	slt.u32 s28, $0x7C;
	v15 =	vand.u32 $0xFFFFFE00, v15;
	s2 =	sshll.u32 s2, $0x6;
	v12 =	vld.idx.msk [tilespmem:v12+s20+$0x0], $0xffff  }
0x266: {  	v17 =	vand.u32 $0xFFFFFE00, v17;
	v20 =	vshll.u32 v7, $0x2;
	v11 =	vor.u32 v15, v11;
	s3 =	sadd.s32 s2, s29;
	v15 =	vld.idx.msk [tilespmem:v4+s20+$0x0], $0xffff;
	v4 =	vmovc v14  }
0x267: {  	v14 =	vand.u32 $0xFFFFFE00, v16;
	v16 =	vand.u32 $0xFFFFFE00, v20;
	v11 =	vor.u32 $0x100, v11;
	s4 =	sor.u32 $0x100, s3;
	s25 =	sor.u32 $0x110, s3;
	s2 =	sor.u32 $0x130, s3;
	[tilespmem:s1+$0x1A000] =	vst v9;
	v9 =	vld.idx.msk [tilespmem:v5+s20+$0x0], $0xffff;
	v5 =	vmovc v13  }
0x268: {  	v2 =	vand.u32 $0x7F, v2;
	v3 =	vand.u32 $0x7F, v3;
	v7 =	vand.u32 $0x7F, v7;
	s3 =	sor.u32 $0x120, s3;
	v20 =	vld [tilespmem:s2+$0x12000];
	[tilespmem:s5+$0x1A000] =	vst v8  }
0x269: {  	v2 =	vor.u32 v17, v2;
	v3 =	vor.u32 v14, v3;
	v7 =	vor.u32 v16, v7;
	v8 =	vld [tilespmem:s4+$0x12000];
	[tilespmem:s18+$0x1A000] =	vst v10  }
0x26a: {  	v16 =	vor.u32 $0x100, v2;
	v14 =	vor.u32 $0x100, v3;
	v13 =	vor.u32 $0x100, v7;
	v10 =	vld [tilespmem:s25+$0x12000];
	[tilespmem:s10+$0x1E000] =	vst v19;
	s10 =	smov.u32 s1;
	s1 =	smov.u32 s21;
	s21 =	smov.u32 s4  }
0x26b: {  	v17 =	vld [tilespmem:s3+$0x12000];
	[tilespmem:s0+$0x1A000] =	vst v12  }
0x26c: {  	v19 =	vld.idx.msk [tilespmem:v11+s20+$0x0], $0xffff;
	[tilespmem:s15+$0x1E000] =	vst v15;
	s15 =	smov.u32 s5;
	s5 =	smov.u32 s22;
	s22 =	smov.u32 s25  }
0x26d: {  	v2 =	vld [tilespmem:s21+$0x16000];
	v7 =	vshll.u32 v20, $0x2;
	[tilespmem:s30+$0x1E000] =	vst v9;
	s30 =	smov.u32 s18;
	s18 =	smov.u32 s24;
	s24 =	smov.u32 s3  }
0x26e: {  	v11 =	vand.u32 $0x7F, v20;
	v9 =	vshll.u32 v8, $0x2;
	v3 =	vld [tilespmem:s22+$0x16000];
	v7 =	vand.u32 $0xFFFFFE00, v7  }
.Ltmp17:
0x26f: {  	v15 =	vand.u32 $0xFFFFFE00, v9;
	v9 =	vshll.u32 v10, $0x2;
	v12 =	vor.u32 v7, v11;
	v11 =	vld [tilespmem:s2+$0x16000];
	(pc) =	sbr.rel @p6 .LBB2_32-.Ltmp17, $4  }
0x270: {  	v20 =	vand.u32 $0xFFFFFE00, v9;
	v9 =	vshll.u32 v17, $0x2;
	v7 =	vld [tilespmem:s24+$0x16000];
	v12 =	vor.u32 $0x100, v12  }
0x271: {  	v8 =	vand.u32 $0x7F, v8;
	v10 =	vand.u32 $0x7F, v10;
	v21 =	vand.u32 $0xFFFFFE00, v9;
	v9 =	vld.idx.msk [tilespmem:v1+s20+$0x0], $0xffff  }
0x272: {  	v1 =	vor.u32 v15, v8;
	v10 =	vor.u32 v20, v10;
	v15 =	vand.u32 $0x7F, v17;
	v8 =	vld.idx.msk [tilespmem:v0+s20+$0x0], $0xffff;
	[tilespmem:s0+$0x1E000] =	vst v19;
	s0 =	smov.u32 s2  }
0x273: {  	p5 =	por !p5, !p5;
	v1 =	vor.u32 $0x100, v1;
	v0 =	vor.u32 $0x100, v10;
	v15 =	vor.u32 v21, v15;
	v10 =	vld.idx.msk [tilespmem:v18+s20+$0x0], $0xffff  }
0x274: {  	s4 =	smov.u32 s10;
	s25 =	smov.u32 s15;
	s3 =	smov.u32 s30  }
0x275: {  	v17 =	vmov v6;
	s28 =	smov.u32 s1;
	s29 =	smov.u32 s5;
	s2 =	smov.u32 s18  }
0x276: {  	v18 =	vmovc v4;
	v19 =	vmovc v5;
	v6 =	vmov v16;
	v4 =	vmov v14;
	v5 =	vmov v13;
	s10 =	smov.u32 s21;
	s15 =	smov.u32 s22;
	s30 =	smov.u32 s24  }
.LBB2_34:
0x277: {  	_ =	sdelay $0x2  }
0x278: {  	v13 =	vshll.u32 v11, $0x2;
	v11 =	vand.u32 $0x7F, v11;
	v15 =	vor.u32 $0x100, v15  }
0x279: {  	v12 =	vld.idx.msk [tilespmem:v12+s20+$0x0], $0xffff;
	v16 =	vshll.u32 v3, $0x2;
	[tilespmem:s28+$0x1A000] =	vst @p3 v9;
	v9 =	vshll.u32 v7, $0x2;
	v13 =	vand.u32 $0xFFFFFE00, v13  }
0x27a: {  	v14 =	vld.idx.msk @p4 [tilespmem:v17+s20+$0x0], $0xffff;
	v6 =	vpsel p3, v6, v0;
	v4 =	vpsel p3, v4, v0;
	v11 =	vor.u32 v13, v11  }
0x27b: {  	v17 =	vld.idx.msk @p4 [tilespmem:v18+s20+$0x0], $0xffff;
	v3 =	vand.u32 $0x7F, v3;
	v13 =	vshll.u32 v2, $0x2;
	v11 =	vor.u32 $0x100, v11  }
0x27c: {  	v18 =	vld.idx.msk @p4 [tilespmem:v19+s20+$0x0], $0xffff;
	[tilespmem:s29+$0x1A000] =	vst @p3 v8;
	v5 =	vpsel p3, v5, v0;
	v2 =	vand.u32 $0x7F, v2;
	v13 =	vand.u32 $0xFFFFFE00, v13  }
0x27d: {  	v1 =	vld.idx.msk [tilespmem:v1+s20+$0x0], $0xffff;
	v7 =	vand.u32 $0x7F, v7;
	v16 =	vand.u32 $0xFFFFFE00, v16;
	[tilespmem:s2+$0x1A000] =	vst @p3 v10;
	v2 =	vor.u32 v13, v2  }
0x27e: {  	v0 =	vld.idx.msk [tilespmem:v0+s20+$0x0], $0xffff;
	v9 =	vand.u32 $0xFFFFFE00, v9;
	v3 =	vor.u32 v16, v3;
	[tilespmem:s0+$0x1A000] =	vst v12;
	v2 =	vor.u32 $0x100, v2  }
0x27f: {  	v7 =	vor.u32 v9, v7;
	v3 =	vor.u32 $0x100, v3;
	[tilespmem:s4+$0x1E000] =	vst @p4 v14;
	v9 =	vld.idx.msk [tilespmem:v15+s20+$0x0], $0xffff  }
0x280: {  	[tilespmem:s25+$0x1E000] =	vst @p4 v17;
	v8 =	vld.idx.msk [tilespmem:v11+s20+$0x0], $0xffff  }
0x281: {  	v7 =	vor.u32 $0x100, v7;
	[tilespmem:s3+$0x1E000] =	vst @p4 v18;
	v4 =	vld.idx.msk @p3 [tilespmem:v4+s20+$0x0], $0xffff  }
0x282: {  	v6 =	vld.idx.msk @p3 [tilespmem:v6+s20+$0x0], $0xffff;
	[tilespmem:s10+$0x1A000] =	vst v1  }
0x283: {  	[tilespmem:s15+$0x1A000] =	vst v0;
	v0 =	vld.idx.msk [tilespmem:v2+s20+$0x0], $0xffff  }
0x284: {  	s1 =	smov.u32 @p3 s29;
	[tilespmem:s30+$0x1A000] =	vst v9;
	v2 =	vld.idx.msk [tilespmem:v3+s20+$0x0], $0xffff  }
0x285: {  	s1 =	smov.u32 @p3 s1;
	v1 =	vld.idx.msk @p3 [tilespmem:v5+s20+$0x0], $0xffff;
	[tilespmem:s0+$0x1E000] =	vst v8;
	s0 =	smov.u32 @p3 s28  }
0x286: {  	[tilespmem:s1+$0x1E000] =	vst @p3 v4;
	v3 =	vld.idx.msk [tilespmem:v7+s20+$0x0], $0xffff;
	s0 =	smov.u32 @p3 s0  }
0x287: {  	[tilespmem:s0+$0x1E000] =	vst @p3 v6  }
0x288: {  	[tilespmem:s10+$0x1E000] =	vst v0  }
0x289: {  	s0 =	smov.u32 @p3 s2;
	[tilespmem:s15+$0x1E000] =	vst v2  }
0x28a: {  	[tilespmem:s0+$0x1E000] =	vst @p3 v1  }
0x28b: {  	[tilespmem:s30+$0x1E000] =	vst v3;
	s0 =	sor.u32 $0x1B0, s9  }
0x28c: {  	s10 =	sor.u32 $0x180, s9;
	v0 =	vld [tilespmem:s0+$0x12000]  }
0x28d: {  	s15 =	sor.u32 $0x190, s9;
	s9 =	sor.u32 $0x1A0, s9;
	v1 =	vld [tilespmem:s10+$0x12000]  }
0x28e: {  	v5 =	vld [tilespmem:s9+$0x12000]  }
0x28f: {  	v4 =	vld [tilespmem:s15+$0x12000];
	_ =	sdelay $0x2  }
0x290: {  	v2 =	vshll.u32 v0, $0x2  }
0x291: {  	v3 =	vshll.u32 v1, $0x2;
	v0 =	vand.u32 $0x7F, v0;
	v8 =	vshll.u32 v5, $0x2  }
.Ltmp18:
0x292: {  	v2 =	vand.u32 $0xFFFFFE00, v2;
	v6 =	vand.u32 $0xFFFFFE00, v3;
	v3 =	vshll.u32 v4, $0x2;
	(pc) =	sbr.rel @!p2 .LBB2_35-.Ltmp18, $4  }
0x293: {  	v11 =	vld [tilespmem:s0+$0x16000];
	v5 =	vand.u32 $0x7F, v5;
	v0 =	vor.u32 v2, v0;
	v7 =	vand.u32 $0xFFFFFE00, v3  }
0x294: {  	v2 =	vld [tilespmem:s10+$0x16000];
	v12 =	vor.u32 $0x180, v0;
	v0 =	vand.u32 $0x7F, v1;
	v1 =	vand.u32 $0x7F, v4  }
0x295: {  	v3 =	vld [tilespmem:s15+$0x16000];
	v4 =	vand.u32 $0xFFFFFE00, v8;
	v0 =	vor.u32 v6, v0;
	v6 =	vor.u32 v7, v1  }
0x296: {  	v7 =	vld [tilespmem:s9+$0x16000];
	v15 =	vor.u32 v4, v5;
	v1 =	vor.u32 $0x180, v0;
	v0 =	vor.u32 $0x180, v6  }
0x297: {  	s1 =	simm.s32 $0x1  }
0x298: {  	s1 =	simm.s32 @!p1 $0x0  }
0x299: {  	v4 =	vshll.u32 v11, $0x2;
	s1 =	sshll.u32 s1, $0x6  }
0x29a: {  	v5 =	vand.u32 $0x7F, v11;
	v4 =	vand.u32 $0xFFFFFE00, v4;
	s2 =	sadd.s32 $0x100, s1  }
0x29b: {  	v6 =	vld.idx.msk [tilespmem:v12+s20+$0x0], $0xffff;
	v10 =	vor.u32 $0x180, v15;
	v4 =	vor.u32 v4, v5;
	s25 =	sor.u32 $0x1B0, s2  }
0x29c: {  	v5 =	vshll.u32 v2, $0x2;
	v4 =	vor.u32 $0x180, v4;
	s1 =	sor.u32 $0x180, s2;
	v8 =	vld [tilespmem:s25+$0x12000]  }
0x29d: {  	v9 =	vshll.u32 v3, $0x2;
	v2 =	vand.u32 $0x7F, v2;
	v3 =	vand.u32 $0x7F, v3;
	s5 =	sor.u32 $0x190, s2;
	v13 =	vld [tilespmem:s1+$0x12000]  }
0x29e: {  	v5 =	vand.u32 $0xFFFFFE00, v5;
	v11 =	vshll.u32 v7, $0x2;
	v9 =	vand.u32 $0xFFFFFE00, v9;
	s18 =	sor.u32 $0x1A0, s2;
	v14 =	vld [tilespmem:s5+$0x12000]  }
0x29f: {  	v7 =	vand.u32 $0x7F, v7;
	v11 =	vand.u32 $0xFFFFFE00, v11;
	v2 =	vor.u32 v5, v2;
	v15 =	vld [tilespmem:s18+$0x12000]  }
0x2a0: {  	[tilespmem:s0+$0x1A000] =	vst v6;
	v3 =	vor.u32 v9, v3;
	v10 =	vld.idx.msk [tilespmem:v10+s20+$0x0], $0xffff;
	v5 =	vor.u32 v11, v7;
	v6 =	vor.u32 $0x180, v2  }
0x2a1: {  	v5 =	vor.u32 $0x180, v5;
	v16 =	vld.idx.msk [tilespmem:v4+s20+$0x0], $0xffff;
	v4 =	vor.u32 $0x180, v3;
	v7 =	vshll.u32 v8, $0x2  }
0x2a2: {  	p3 =	por $0x1, $0x1;
	v2 =	vld [tilespmem:s1+$0x16000];
	v9 =	vshll.u32 v13, $0x2;
	v8 =	vand.u32 $0x7F, v8;
	v7 =	vand.u32 $0xFFFFFE00, v7  }
.Ltmp19:
0x2a3: {  	v11 =	vld [tilespmem:s25+$0x16000];
	v17 =	vand.u32 $0xFFFFFE00, v9;
	v9 =	vshll.u32 v14, $0x2;
	v8 =	vor.u32 v7, v8;
	(pc) =	sbr.rel @!p3 .LBB2_37-.Ltmp19, $4  }
0x2a4: {  	v3 =	vld [tilespmem:s5+$0x16000];
	v18 =	vand.u32 $0xFFFFFE00, v9;
	v9 =	vshll.u32 v15, $0x2;
	v15 =	vand.u32 $0x7F, v15  }
0x2a5: {  	v7 =	vld [tilespmem:s18+$0x16000];
	v12 =	vor.u32 $0x180, v8;
	v8 =	vand.u32 $0x7F, v13;
	v13 =	vand.u32 $0x7F, v14  }
0x2a6: {  	v14 =	vand.u32 $0xFFFFFE00, v9;
	v9 =	vld.idx.msk [tilespmem:v1+s20+$0x0], $0xffff;
	v1 =	vor.u32 v17, v8;
	v13 =	vor.u32 v18, v13  }
0x2a7: {  	p2 =	por !p1, !p1;
	p1 =	por $0x1, $0x1;
	v8 =	vld.idx.msk [tilespmem:v0+s20+$0x0], $0xffff;
	[tilespmem:s0+$0x1E000] =	vst v16;
	v15 =	vor.u32 v14, v15;
	v1 =	vor.u32 $0x180, v1;
	v0 =	vor.u32 $0x180, v13  }
0x2a8: {  	s0 =	simm.s32 $0x1  }
0x2a9: {  	s0 =	simm.s32 @!p2 $0x0  }
0x2aa: {  	s0 =	sshll.u32 s0, $0x6  }
0x2ab: {  	s2 =	sadd.s32 $0x200, s0  }
0x2ac: {  	v13 =	vshll.u32 v11, $0x2;
	v12 =	vld.idx.msk [tilespmem:v12+s20+$0x0], $0xffff;
	s0 =	sor.u32 $0x1B0, s2  }
0x2ad: {  	v11 =	vand.u32 $0x7F, v11;
	v17 =	vor.u32 $0x180, v15;
	v13 =	vand.u32 $0xFFFFFE00, v13;
	s21 =	sor.u32 $0x180, s2;
	v15 =	vld [tilespmem:s0+$0x12000]  }
0x2ae: {  	v11 =	vor.u32 v13, v11;
	s22 =	sor.u32 $0x190, s2;
	v18 =	vld [tilespmem:s21+$0x12000]  }
0x2af: {  	v14 =	vshll.u32 v3, $0x2;
	v3 =	vand.u32 $0x7F, v3;
	v11 =	vor.u32 $0x180, v11;
	s24 =	sor.u32 $0x1A0, s2;
	v19 =	vld [tilespmem:s22+$0x12000]  }
0x2b0: {  	v13 =	vshll.u32 v2, $0x2;
	v16 =	vshll.u32 v7, $0x2;
	v14 =	vand.u32 $0xFFFFFE00, v14;
	v20 =	vld [tilespmem:s24+$0x12000]  }
0x2b1: {  	v2 =	vand.u32 $0x7F, v2;
	v7 =	vand.u32 $0x7F, v7;
	v13 =	vand.u32 $0xFFFFFE00, v13  }
0x2b2: {  	v16 =	vand.u32 $0xFFFFFE00, v16;
	v3 =	vor.u32 v14, v3;
	v2 =	vor.u32 v13, v2  }
0x2b3: {  	v7 =	vor.u32 v16, v7;
	v14 =	vor.u32 $0x180, v3;
	[tilespmem:s25+$0x1A000] =	vst v12;
	v16 =	vor.u32 $0x180, v2;
	v2 =	vld [tilespmem:s21+$0x16000]  }
0x2b4: {  	v13 =	vor.u32 $0x180, v7;
	v21 =	vld.idx.msk [tilespmem:v11+s20+$0x0], $0xffff;
	v7 =	vshll.u32 v15, $0x2;
	v11 =	vshll.u32 v18, $0x2  }
0x2b5: {  	p3 =	por $0x1, $0x1;
	[tilespmem:s10+$0x1A000] =	vst v9;
	v3 =	vld [tilespmem:s22+$0x16000];
	v12 =	vand.u32 $0x7F, v15;
	v22 =	vshll.u32 v19, $0x2;
	v9 =	vshll.u32 v20, $0x2  }
.Ltmp20:
0x2b6: {  	[tilespmem:s15+$0x1A000] =	vst v8;
	v8 =	vand.u32 $0x7F, v18;
	v7 =	vand.u32 $0xFFFFFE00, v7;
	v15 =	vand.u32 $0xFFFFFE00, v11;
	v11 =	vld [tilespmem:s0+$0x16000];
	(pc) =	sbr.rel @!p3 .LBB2_39-.Ltmp20, $4  }
0x2b7: {  	v18 =	vand.u32 $0x7F, v19;
	v19 =	vand.u32 $0xFFFFFE00, v9;
	v9 =	vld.idx.msk [tilespmem:v1+s20+$0x0], $0xffff;
	v12 =	vor.u32 v7, v12  }
0x2b8: {  	v22 =	vand.u32 $0xFFFFFE00, v22;
	v7 =	vld [tilespmem:s24+$0x16000];
	v12 =	vor.u32 $0x180, v12  }
0x2b9: {  	[tilespmem:s9+$0x1A000] =	vst v10;
	s28 =	simm.s32 $0x8;
	v1 =	vor.u32 v15, v8;
	v10 =	vor.u32 v22, v18;
	v15 =	vand.u32 $0x7F, v20;
	v8 =	vld.idx.msk [tilespmem:v0+s20+$0x0], $0xffff  }
0x2ba: {  	s29 =	simm.s32 $0x200;
	p0 =	por $0x1, $0x1;
	p2 =	por !p2, !p2;
	[tilespmem:s25+$0x1E000] =	vst v21;
	v1 =	vor.u32 $0x180, v1;
	v0 =	vor.u32 $0x180, v10;
	v15 =	vor.u32 v19, v15;
	v10 =	vld.idx.msk [tilespmem:v17+s20+$0x0], $0xffff  }
.LBB2_40:
0x2bb: {  	s2 =	simm.s32 $0x1  }
0x2bc: {  	s28 =	sadd.s32 $0x4, s28;
	v17 =	vshll.u32 v2, $0x2;
	v18 =	vor.u32 $0x180, v15;
	v15 =	vshll.u32 v11, $0x2;
	v19 =	vld.idx.msk [tilespmem:v6+s20+$0x0], $0xffff;
	v6 =	vmovc v16;
	s2 =	simm.s32 @!p2 $0x0  }
0x2bd: {  	v16 =	vshll.u32 v3, $0x2;
	v11 =	vand.u32 $0x7F, v11;
	s29 =	sadd.s32 $0x100, s29;
	p3 =	slt.u32 s28, $0x7C;
	v15 =	vand.u32 $0xFFFFFE00, v15;
	s2 =	sshll.u32 s2, $0x6;
	v12 =	vld.idx.msk [tilespmem:v12+s20+$0x0], $0xffff  }
0x2be: {  	v17 =	vand.u32 $0xFFFFFE00, v17;
	v20 =	vshll.u32 v7, $0x2;
	v11 =	vor.u32 v15, v11;
	s3 =	sadd.s32 s2, s29;
	v15 =	vld.idx.msk [tilespmem:v4+s20+$0x0], $0xffff;
	v4 =	vmovc v14  }
0x2bf: {  	v14 =	vand.u32 $0xFFFFFE00, v16;
	v16 =	vand.u32 $0xFFFFFE00, v20;
	v11 =	vor.u32 $0x180, v11;
	s4 =	sor.u32 $0x180, s3;
	s25 =	sor.u32 $0x190, s3;
	s2 =	sor.u32 $0x1B0, s3;
	[tilespmem:s1+$0x1A000] =	vst v9;
	v9 =	vld.idx.msk [tilespmem:v5+s20+$0x0], $0xffff;
	v5 =	vmovc v13  }
0x2c0: {  	v2 =	vand.u32 $0x7F, v2;
	v3 =	vand.u32 $0x7F, v3;
	v7 =	vand.u32 $0x7F, v7;
	s3 =	sor.u32 $0x1A0, s3;
	v20 =	vld [tilespmem:s2+$0x12000];
	[tilespmem:s5+$0x1A000] =	vst v8  }
0x2c1: {  	v2 =	vor.u32 v17, v2;
	v3 =	vor.u32 v14, v3;
	v7 =	vor.u32 v16, v7;
	v8 =	vld [tilespmem:s4+$0x12000];
	[tilespmem:s18+$0x1A000] =	vst v10  }
0x2c2: {  	v16 =	vor.u32 $0x180, v2;
	v14 =	vor.u32 $0x180, v3;
	v13 =	vor.u32 $0x180, v7;
	v10 =	vld [tilespmem:s25+$0x12000];
	[tilespmem:s10+$0x1E000] =	vst v19;
	s10 =	smov.u32 s1;
	s1 =	smov.u32 s21;
	s21 =	smov.u32 s4  }
0x2c3: {  	v17 =	vld [tilespmem:s3+$0x12000];
	[tilespmem:s0+$0x1A000] =	vst v12  }
0x2c4: {  	v19 =	vld.idx.msk [tilespmem:v11+s20+$0x0], $0xffff;
	[tilespmem:s15+$0x1E000] =	vst v15;
	s15 =	smov.u32 s5;
	s5 =	smov.u32 s22;
	s22 =	smov.u32 s25  }
0x2c5: {  	v2 =	vld [tilespmem:s21+$0x16000];
	v7 =	vshll.u32 v20, $0x2;
	[tilespmem:s9+$0x1E000] =	vst v9;
	s9 =	smov.u32 s18;
	s18 =	smov.u32 s24;
	s24 =	smov.u32 s3  }
0x2c6: {  	v11 =	vand.u32 $0x7F, v20;
	v9 =	vshll.u32 v8, $0x2;
	v3 =	vld [tilespmem:s22+$0x16000];
	v7 =	vand.u32 $0xFFFFFE00, v7  }
.Ltmp21:
0x2c7: {  	v15 =	vand.u32 $0xFFFFFE00, v9;
	v9 =	vshll.u32 v10, $0x2;
	v12 =	vor.u32 v7, v11;
	v11 =	vld [tilespmem:s2+$0x16000];
	(pc) =	sbr.rel @p3 .LBB2_40-.Ltmp21, $4  }
0x2c8: {  	v20 =	vand.u32 $0xFFFFFE00, v9;
	v9 =	vshll.u32 v17, $0x2;
	v7 =	vld [tilespmem:s24+$0x16000];
	v12 =	vor.u32 $0x180, v12  }
0x2c9: {  	v8 =	vand.u32 $0x7F, v8;
	v10 =	vand.u32 $0x7F, v10;
	v21 =	vand.u32 $0xFFFFFE00, v9;
	v9 =	vld.idx.msk [tilespmem:v1+s20+$0x0], $0xffff  }
0x2ca: {  	v1 =	vor.u32 v15, v8;
	v10 =	vor.u32 v20, v10;
	v15 =	vand.u32 $0x7F, v17;
	v8 =	vld.idx.msk [tilespmem:v0+s20+$0x0], $0xffff;
	[tilespmem:s0+$0x1E000] =	vst v19;
	s0 =	smov.u32 s2  }
0x2cb: {  	p2 =	por !p2, !p2;
	v1 =	vor.u32 $0x180, v1;
	v0 =	vor.u32 $0x180, v10;
	v15 =	vor.u32 v21, v15;
	v10 =	vld.idx.msk [tilespmem:v18+s20+$0x0], $0xffff  }
0x2cc: {  	s4 =	smov.u32 s10;
	s3 =	smov.u32 s15;
	s25 =	smov.u32 s9  }
0x2cd: {  	v17 =	vmov v6;
	s28 =	smov.u32 s1;
	s2 =	smov.u32 s5;
	s29 =	smov.u32 s18  }
0x2ce: {  	v18 =	vmovc v4;
	v19 =	vmovc v5;
	v6 =	vmov v16;
	v4 =	vmov v14;
	v5 =	vmov v13;
	s10 =	smov.u32 s21;
	s15 =	smov.u32 s22;
	s9 =	smov.u32 s24  }
.LBB2_42:
0x2cf: {  	_ =	sdelay $0x2  }
0x2d0: {  	v13 =	vshll.u32 v11, $0x2;
	v51 =	vand.u32 $0x7F, v11  }
0x2d1: {  	v12 =	vld.idx.msk [tilespmem:v12+s20+$0x0], $0xffff;
	v52 =	vshll.u32 v2, $0x2;
	v15 =	vor.u32 $0x180, v15;
	v16 =	vshll.u32 v3, $0x2  }
0x2d2: {  	v14 =	vld.idx.msk @p0 [tilespmem:v17+s20+$0x0], $0xffff;
	v54 =	vand.u32 $0x7F, v2;
	v4 =	vpsel p1, v4, v0;
	v13 =	vand.u32 $0xFFFFFE00, v13  }
0x2d3: {  	v17 =	vld.idx.msk @p0 [tilespmem:v18+s20+$0x0], $0xffff;
	[tilespmem:s28+$0x1A000] =	vst @p1 v9;
	v56 =	vand.u32 $0x7F, v3;
	v16 =	vand.u32 $0xFFFFFE00, v16;
	v11 =	vor.u32 v13, v51  }
0x2d4: {  	[tilespmem:s2+$0x1A000] =	vst @p1 v8;
	v58 =	vld.idx.msk [tilespmem:v0+s20+$0x0], $0xffff;
	v13 =	vand.u32 $0xFFFFFE00, v52;
	v3 =	vor.u32 v16, v56;
	v11 =	vor.u32 $0x180, v11  }
0x2d5: {  	v1 =	vld.idx.msk [tilespmem:v1+s20+$0x0], $0xffff;
	[tilespmem:s29+$0x1A000] =	vst @p1 v10;
	v2 =	vor.u32 v13, v54;
	v3 =	vor.u32 $0x180, v3  }
0x2d6: {  	v18 =	vld.idx.msk @p0 [tilespmem:v19+s20+$0x0], $0xffff;
	v2 =	vor.u32 $0x180, v2;
	[tilespmem:s0+$0x1A000] =	vst v12  }
0x2d7: {  	v6 =	vpsel p1, v6, v0;
	[tilespmem:s4+$0x1E000] =	vst @p0 v14;
	v59 =	vld.idx.msk [tilespmem:v15+s20+$0x0], $0xffff  }
0x2d8: {  	v53 =	vshll.u32 v7, $0x2;
	v5 =	vpsel p1, v5, v0;
	[tilespmem:s3+$0x1E000] =	vst @p0 v17;
	v4 =	vld.idx.msk @p1 [tilespmem:v4+s20+$0x0], $0xffff  }
0x2d9: {  	v57 =	vand.u32 $0x7F, v7;
	v9 =	vand.u32 $0xFFFFFE00, v53;
	[tilespmem:s15+$0x1A000] =	vst v58;
	v55 =	vld.idx.msk [tilespmem:v11+s20+$0x0], $0xffff  }
0x2da: {  	v7 =	vor.u32 v9, v57;
	[tilespmem:s10+$0x1A000] =	vst v1;
	v61 =	vld.idx.msk [tilespmem:v3+s20+$0x0], $0xffff  }
0x2db: {  	s1 =	smov.u32 @p1 s2;
	v7 =	vor.u32 $0x180, v7;
	[tilespmem:s25+$0x1E000] =	vst @p0 v18;
	v60 =	vld.idx.msk [tilespmem:v2+s20+$0x0], $0xffff  }
0x2dc: {  	s1 =	smov.u32 @p1 s1;
	v6 =	vld.idx.msk @p1 [tilespmem:v6+s20+$0x0], $0xffff;
	[tilespmem:s9+$0x1A000] =	vst v59  }
0x2dd: {  	v1 =	vld.idx.msk @p1 [tilespmem:v5+s20+$0x0], $0xffff;
	[tilespmem:s1+$0x1E000] =	vst @p1 v4  }
0x2de: {  	[tilespmem:s0+$0x1E000] =	vst v55  }
0x2df: {  	s0 =	smov.u32 @p1 s28;
	[tilespmem:s15+$0x1E000] =	vst v61  }
0x2e0: {  	s2 =	smov.u32 @p1 s29;
	v62 =	vld.idx.msk [tilespmem:v7+s20+$0x0], $0xffff;
	s0 =	smov.u32 @p1 s0;
	[tilespmem:s10+$0x1E000] =	vst v60  }
0x2e1: {  	[tilespmem:s0+$0x1E000] =	vst @p1 v6;
	s0 =	smov.u32 @p1 s2  }
0x2e2: {  	s19 =	sadd.s32 $0x1, s19;
	[tilespmem:s0+$0x1E000] =	vst @p1 v1  }
0x2e3: {  	p0 =	sne.s32 s19, $0x10;
	s0 =	rddreg [dreg:$0xb]  }
.Ltmp22:
0x2e4: {  	s0 =	sadd.s32 s0, s8;
	(pc) =	sbr.rel @p0 .LBB2_2-.Ltmp22, $4  }
.Ltmp23:
0x2e5: {  	s29 =	simm.s32 $0x1E000;
	[tilespmem:s9+$0x1E000] =	vst v62;
	s28 =	sadd.s32 s13, s0;
	(pc) =	sbr.rel @!p0 .LBB2_43-.Ltmp23, $4  }
0x2e6: {  	[hbm4b:s28+s16] =	stream.strided.scatter [tilespmem:s29], [sflag:$0x6], $0x2000, s17, s16, $0x38;
	v63 =	vld [tilespmem:$0x0]  }
0x2e7: {  	s30 =	simm.s32 $0x1A000;
	s0 =	sadd.s32 s11, s0  }
0x2e8: {  	[hbm4b:s0+s16] =	stream.strided.scatter [tilespmem:s30], [sflag:$0x4], $0x2000, s17, s16, $0x38;
	v63 =	vld [tilespmem:$0x0]  }
0x2e9: {  	_ = 	snop  }
.LBB2_7:
.Ltmp24:
0x2ea: {  	(pc) =	sbr.rel .LBB2_14-.Ltmp24, $2  }
0x2eb: {  	_ =	sdelay $0x2  }
0x2ec: {  	p4 =	por $0x0, $0x0;
	p5 =	por $0x0, $0x0  }
.LBB2_15:
.Ltmp25:
0x2ed: {  	(pc) =	sbr.rel .LBB2_22-.Ltmp25, $2  }
0x2ee: {  	_ =	sdelay $0x2  }
0x2ef: {  	p2 =	por $0x0, $0x0  }
.LBB2_27:
.Ltmp26:
0x2f0: {  	(pc) =	sbr.rel .LBB2_34-.Ltmp26, $2  }
0x2f1: {  	_ =	sdelay $0x2  }
0x2f2: {  	p3 =	por $0x0, $0x0;
	p4 =	por $0x0, $0x0  }
.LBB2_35:
.Ltmp27:
0x2f3: {  	(pc) =	sbr.rel .LBB2_42-.Ltmp27, $2  }
0x2f4: {  	_ =	sdelay $0x2  }
0x2f5: {  	p1 =	por $0x0, $0x0  }
.LBB2_9:
.Ltmp28:
0x2f6: {  	(pc) =	sbr.rel .LBB2_14-.Ltmp28, $4  }
0x2f7: {  	s28 =	smov.u32 s21;
	s29 =	smov.u32 s22  }
0x2f8: {  	s2 =	smov.u32 s24;
	s21 =	smov.u32 s15;
	s0 =	smov.u32 s25  }
0x2f9: {  	s22 =	smov.u32 s30;
	s24 =	smov.u32 s31;
	p5 =	por $0x0, $0x0  }
0x2fa: {  	s31 =	smov.u32 s6;
	s6 =	smov.u32 s11;
	s11 =	smov.u32 s12  }
.LBB2_17:
.Ltmp29:
0x2fb: {  	(pc) =	sbr.rel .LBB2_22-.Ltmp29, $4  }
0x2fc: {  	_ = 	snop  }
0x2fd: {  	s28 =	smov.u32 s9  }
0x2fe: {  	s2 =	smov.u32 s15;
	s29 =	smov.u32 s10;
	s9 =	smov.u32 s1  }
0x2ff: {  	s0 =	smov.u32 s25;
	s15 =	smov.u32 s5;
	s10 =	smov.u32 s18  }
.LBB2_29:
.Ltmp30:
0x300: {  	(pc) =	sbr.rel .LBB2_34-.Ltmp30, $4  }
0x301: {  	_ = 	snop  }
0x302: {  	s28 =	smov.u32 s10;
	s29 =	smov.u32 s15  }
0x303: {  	s2 =	smov.u32 s30;
	s10 =	smov.u32 s1;
	s0 =	smov.u32 s25  }
0x304: {  	s15 =	smov.u32 s5;
	s30 =	smov.u32 s18;
	p4 =	por $0x0, $0x0  }
.LBB2_37:
.Ltmp31:
0x305: {  	(pc) =	sbr.rel .LBB2_42-.Ltmp31, $4  }
0x306: {  	_ = 	snop  }
0x307: {  	s28 =	smov.u32 s10  }
0x308: {  	s2 =	smov.u32 s15;
	s29 =	smov.u32 s9;
	s10 =	smov.u32 s1  }
0x309: {  	s0 =	smov.u32 s25;
	s15 =	smov.u32 s5;
	s9 =	smov.u32 s18  }
.LBB2_11:
0x30a: {  	s4 =	smov.u32 s21  }
.Ltmp32:
0x30b: {  	s25 =	smov.u32 s22;
	s3 =	smov.u32 s24;
	(pc) =	sbr.rel .LBB2_14-.Ltmp32, $4  }
0x30c: {  	s28 =	smov.u32 s15;
	s29 =	smov.u32 s30;
	s30 =	sld [smem:$0x7FD]  }
0x30d: {  	s2 =	smov.u32 s31;
	s21 =	smov.u32 s1;
	s22 =	smov.u32 s5  }
0x30e: {  	v17 =	vmov v6;
	s24 =	smov.u32 s18;
	s31 =	smov.u32 s6;
	s6 =	smov.u32 s11  }
0x30f: {  	v18 =	vmovc v4;
	v19 =	vmovc v5;
	v6 =	vmov v16;
	v4 =	vmov v14;
	v5 =	vmov v13;
	s11 =	smov.u32 s12;
	p6 =	por $0x1, $0x1;
	p2 =	seq.s32 s30, $0x1  }
.LBB2_19:
.Ltmp33:
0x310: {  	(pc) =	sbr.rel .LBB2_22-.Ltmp33, $4  }
0x311: {  	_ = 	snop  }
0x312: {  	s4 =	smov.u32 s9;
	s3 =	smov.u32 s15;
	s25 =	smov.u32 s10  }
0x313: {  	v17 =	vmov v6;
	s28 =	smov.u32 s1;
	s2 =	smov.u32 s5;
	s29 =	smov.u32 s18  }
0x314: {  	v18 =	vmovc v4;
	v19 =	vmovc v5;
	v6 =	vmov v16;
	v4 =	vmov v14;
	v5 =	vmov v13;
	s9 =	smov.u32 s21;
	s15 =	smov.u32 s22;
	s10 =	smov.u32 s24  }
.LBB2_31:
.Ltmp34:
0x315: {  	(pc) =	sbr.rel .LBB2_34-.Ltmp34, $4  }
0x316: {  	_ = 	snop  }
0x317: {  	s4 =	smov.u32 s10;
	s25 =	smov.u32 s15;
	s3 =	smov.u32 s30  }
0x318: {  	v17 =	vmov v6;
	s28 =	smov.u32 s1;
	s29 =	smov.u32 s5;
	s2 =	smov.u32 s18  }
0x319: {  	v18 =	vmovc v4;
	v19 =	vmovc v5;
	v6 =	vmov v16;
	v4 =	vmov v14;
	v5 =	vmov v13;
	s10 =	smov.u32 s21;
	s15 =	smov.u32 s22;
	s30 =	smov.u32 s24  }
.LBB2_39:
.Ltmp35:
0x31a: {  	(pc) =	sbr.rel .LBB2_42-.Ltmp35, $4  }
0x31b: {  	_ = 	snop  }
0x31c: {  	s4 =	smov.u32 s10;
	s3 =	smov.u32 s15;
	s25 =	smov.u32 s9  }
0x31d: {  	v17 =	vmov v6;
	s28 =	smov.u32 s1;
	s2 =	smov.u32 s5;
	s29 =	smov.u32 s18  }
0x31e: {  	v18 =	vmovc v4;
	v19 =	vmovc v5;
	v6 =	vmov v16;
	v4 =	vmov v14;
	v5 =	vmov v13;
	s10 =	smov.u32 s21;
	s15 =	smov.u32 s22;
	s9 =	smov.u32 s24  }
.LBB2_44:
0x31f: {  	_ =	sfence.sel $0x180000  }
0x320: {  	[bflag:$0x0] =	sbarrier.arrive $0xFFFF  }
0x321: {  	_ =	strace $0x90000047  }
0x322: {  	s0 =	stileid.u32;
	[bflag:$0x2] =	sbarrier.arrive $0xFFFF  }
0x323: {  	p0 =	sne.s32 s0, $0x0;
	s0 =	rddreg [dreg:$0x5]  }
0x324: {  	s0 =	sadd.s32 @!p0 $0x100000, s0  }
0x325: {  	[sflag:s0] =	ssyncadd.tile.s32 @!p0 $0x1;
	_ =	shalt  }
.Lfunc_end2:
_tile_overlayer_lowered:
.L_overlay_start_2:
0x326: {  	(tag) =	ssettag $0x2  }
0x327: {  	s0 =	rddreg [dreg:$0x0];
	s2 =	stileid.u32  }
0x328: {  	s1 =	rddreg [dreg:$0x1];
	p0 =	sne.s32 s2, $0x0  }
0x329: {  	s3 =	rddreg [dreg:$0x2];
	[bflag:$0x3] =	sbarrier.arrive $0xFFFF;
	s2 =	simm.s32 @!p0 $0x1C07  }
0x32a: {  	[timem:s3], [sflag:s2] =	dma.local @!p0 [hbm:s0], s1  }
0x32b: {  	s0 =	simm.s32 @!p0 $0x7  }
0x32c: {  	_ =	swait.ge @!p0 [sflag:s0], s1  }
0x32d: {  	s1 =	ssub.s32 @!p0 $0x0, s1;
	[sflag:s0] =	ssyncset.done @!p0 $0x0  }
0x32e: {  	[sflag:s0] =	ssyncadd.s32 @!p0 s1  }
0x32f: {  	[bflag:$0x3] =	sbarrier.arrive $0xFFFF  }
0x330: {  	_ =	shalt  }

</sc_bundles>
